<compile_context>
chip_gen: v7x
topology: tpu7x:2x2x1
jax: 0.10.2.dev20260603
libtpu: 0.0.44.dev20260713+nightly
codegen_flags: <defaults>
</compile_context>

<pallas_src>
import functools
import math

import jax
import jax.numpy as jnp
import numpy as np
from jax import lax
from jax.experimental import pallas as pl
from jax.experimental.pallas import tpu as pltpu
from jax.experimental.pallas import tpu_sc as plsc

_RADIUS = 5
_NC = 2
_NS = 16
_L = 16
_NW = _NC * _NS


@functools.cache
def _make_sc_kernel(B, D, K):
    rows_per_w = B // _NW
    elems_per_w = rows_per_w * D
    groups = rows_per_w // _L
    mesh = plsc.VectorSubcoreMesh(core_axis_name="c", subcore_axis_name="s")

    @functools.partial(
        pl.kernel,
        out_type=jax.ShapeDtypeStruct((B,), jnp.float32),
        mesh=mesh,
        scratch_types=[
            pltpu.VMEM((elems_per_w,), jnp.float32),
            pltpu.VMEM((elems_per_w,), jnp.float32),
            pltpu.VMEM((K,), jnp.float32),
            pltpu.VMEM((rows_per_w,), jnp.float32),
            pltpu.SemaphoreType.DMA,
            pltpu.SemaphoreType.DMA,
            pltpu.SemaphoreType.DMA,
        ],
        compiler_params=pltpu.CompilerParams(needs_layout_passes=False),
    )
    def sc_kernel(x_hbm, s_hbm, tab_hbm, out_hbm, xv, sv, tabv, ov, sem1, sem2, sem3):
        wid = lax.axis_index("s") * _NC + lax.axis_index("c")
        base = wid * elems_per_w
        cp1 = pltpu.async_copy(x_hbm.at[pl.ds(base, elems_per_w)], xv, sem1)
        cp2 = pltpu.async_copy(s_hbm.at[pl.ds(base, elems_per_w)], sv, sem2)
        cp3 = pltpu.async_copy(tab_hbm, tabv, sem3)
        cp1.wait()
        cp2.wait()
        cp3.wait()
        lanes = lax.iota(jnp.int32, _L) * D
        radius = jnp.float32(_RADIUS)
        ninf = jnp.float32(-jnp.inf)
        unroll = 4
        zero = jnp.zeros((_L,), jnp.float32)
        for g in range(groups):
            base_vec = lanes + g * (_L * D)

            def body(k, accs):
                out_accs = []
                for u in range(unroll):
                    idx = base_vec + (k * unroll + u)
                    xvv = plsc.load_gather(xv, [idx])
                    svv = plsc.load_gather(sv, [idx])
                    nl = plsc.load_gather(tabv, [xvv.astype(jnp.int32)])
                    ok = jnp.abs(xvv - svv) <= radius
                    out_accs.append(accs[u] + jnp.where(ok, nl, ninf))
                return tuple(out_accs)

            accs = lax.fori_loop(0, D // unroll, body, (zero,) * unroll)
            ov[pl.ds(g * _L, _L)] = (accs[0] + accs[1]) + (accs[2] + accs[3])
        pltpu.sync_copy(ov, out_hbm.at[pl.ds(wid * rows_per_w, rows_per_w)])

    return sc_kernel


def kernel(x, state_space, s):
    B, D = x.shape
    K = state_space.shape[0]
    i = np.arange(K)
    cnt = np.minimum(i + _RADIUS, K - 1) - np.maximum(i - _RADIUS, 0) + 1
    tab = jnp.asarray(-np.log(cnt.astype(np.float64)), dtype=jnp.float32)
    sc_kernel = _make_sc_kernel(B, D, K)
    return sc_kernel(x.reshape(-1), s.reshape(-1), tab)

# --- scband reference (transcript-rebuilt; emitter-appended) ---
"""Pipeline reference for scband-product-of-local-uniform-ordinals-46926812676951 (READ-ONLY COPY).

The authoritative reference and input builder live on the scoring server;
editing this copy changes nothing except your own understanding.
"""

import jax, jax.numpy as jnp
import numpy as np

RADIUS = 5


def _idx_lookup(v, state_space):
    # Return tensor with same shape as v, each element replaced by its index in state_space
    one_hot = v[..., None] == state_space
    return jnp.argmax(one_hot, axis=-1)


def _build_logits(x, state_space, radius):
    n = x.size
    K = state_space.shape[0]
    xf = x.reshape(-1)
    idxs = _idx_lookup(xf, state_space)
    w = 2 * radius + 1
    x_coords = jnp.repeat(jnp.arange(n), w)
    y_coords = idxs[:, None] + jnp.arange(-radius, radius + 1)
    valid = (y_coords >= 0) & (y_coords < K)
    y_flat = jnp.clip(y_coords.reshape(-1), 0, K - 1)
    # torch code overwrites valid coords with 1 on a -inf canvas; .at[].max with
    # -inf payload for invalid (clipped) coords reproduces that exactly.
    vals = jnp.where(valid.reshape(-1), 1.0, -jnp.inf).astype(jnp.float32)
    logits = jnp.full((n, K), -jnp.inf, dtype=jnp.float32)
    logits = logits.at[x_coords, y_flat].max(vals)
    return logits.reshape(x.shape + (K,))


def setup_inputs(seed: int = 0):
    key = jax.random.key(seed)
    k1, k2 = jax.random.split(key)
    B, D, K = 4096, 128, 128
    x = jax.random.randint(k1, (B, D), 0, K).astype(jnp.float32)
    state_space = jnp.arange(K, dtype=jnp.float32)
    s = jax.random.randint(k2, (B, D), 0, K).astype(jnp.float32)
    return {"x": x, "state_space": state_space, "s": s}


def reference(x, state_space, s):
    # __init__: build logits from x (scatter-write 1s into a -inf canvas)
    logits = _build_logits(x, state_space, RADIUS)
    # log_prob(s) via product-of-Ordinals (Categorical log_prob summed over last dim)
    s_idxs = _idx_lookup(s, state_space)
    norm = logits - jax.scipy.special.logsumexp(logits, axis=-1, keepdims=True)
    logp = jnp.take_along_axis(norm, s_idxs[..., None], axis=-1)[..., 0]
    return logp.sum(-1)

if __name__ == "__main__":
    import jax
    _d = setup_inputs()
    print(jax.jit(kernel)(*tuple(_d.values())))

</pallas_src>

<mosaic_0001>
#map = affine_map<(d0, d1) -> (0)>
module attributes {stable_mosaic.version = 14 : i64} {
  func.func @sc_kernel(%arg0: i32, %arg1: i32, %arg2: memref<524288xf32, #tpu.memory_space<hbm>>, %arg3: memref<524288xf32, #tpu.memory_space<hbm>>, %arg4: memref<128xf32, #tpu.memory_space<hbm>>, %arg5: memref<4096xf32, #tpu.memory_space<hbm>>, %arg6: memref<16384xf32, #tpu.memory_space<vmem>>, %arg7: memref<16384xf32, #tpu.memory_space<vmem>>, %arg8: memref<128xf32, #tpu.memory_space<vmem>>, %arg9: memref<128xf32, #tpu.memory_space<vmem>>, %arg10: memref<!tpu.dma_semaphore, #tpu.memory_space<semaphore_mem>>, %arg11: memref<!tpu.dma_semaphore, #tpu.memory_space<semaphore_mem>>, %arg12: memref<!tpu.dma_semaphore, #tpu.memory_space<semaphore_mem>>) attributes {dimension_semantics = [#tpu.dimension_semantics<core_parallel>, #tpu.dimension_semantics<subcore_parallel>], iteration_bounds = array<i64: 2, 16>, scalar_prefetch = 0 : i64, scratch_operands = 7 : i64, tpu.core_type = #tpu.core_type<sc_vector_subcore>, window_params = [{transform_indices = #map}, {transform_indices = #map}, {transform_indices = #map}, {transform_indices = #map}]} {
    %mul3A = arith.constant 2 : i32
    %mul3A_0 = arith.muli %arg1, %mul3A : i32
    %add3A = arith.addi %mul3A_0, %arg0 : i32
    %mul3A_1 = arith.constant 16384 : i32
    %mul3A_2 = arith.muli %add3A, %mul3A_1 : i32
    %dma_start3A = tpu.memref_slice %arg2[%mul3A_2] : memref<524288xf32, #tpu.memory_space<hbm>> -> memref<16384xf32, #tpu.memory_space<hbm>>
    %dma_start3A_3 = tpu.memref_slice %arg2[%mul3A_2] : memref<524288xf32, #tpu.memory_space<hbm>> -> memref<16384xf32, #tpu.memory_space<hbm>>
    tpu.enqueue_dma source(%dma_start3A_3 : memref<16384xf32, #tpu.memory_space<hbm>>) target(%arg6 : memref<16384xf32, #tpu.memory_space<vmem>>) target_semaphore(%arg10 : memref<!tpu.dma_semaphore, #tpu.memory_space<semaphore_mem>>)
    %dma_start3A_4 = tpu.memref_slice %arg3[%mul3A_2] : memref<524288xf32, #tpu.memory_space<hbm>> -> memref<16384xf32, #tpu.memory_space<hbm>>
    %dma_start3A_5 = tpu.memref_slice %arg3[%mul3A_2] : memref<524288xf32, #tpu.memory_space<hbm>> -> memref<16384xf32, #tpu.memory_space<hbm>>
    tpu.enqueue_dma source(%dma_start3A_5 : memref<16384xf32, #tpu.memory_space<hbm>>) target(%arg7 : memref<16384xf32, #tpu.memory_space<vmem>>) target_semaphore(%arg11 : memref<!tpu.dma_semaphore, #tpu.memory_space<semaphore_mem>>)
    tpu.enqueue_dma source(%arg4 : memref<128xf32, #tpu.memory_space<hbm>>) target(%arg8 : memref<128xf32, #tpu.memory_space<vmem>>) target_semaphore(%arg12 : memref<!tpu.dma_semaphore, #tpu.memory_space<semaphore_mem>>)
    %dma_wait3A = tpu.memref_slice %arg2[%mul3A_2] : memref<524288xf32, #tpu.memory_space<hbm>> -> memref<16384xf32, #tpu.memory_space<hbm>>
    %dma_wait3A_6 = tpu.memref_slice %arg2[%mul3A_2] : memref<524288xf32, #tpu.memory_space<hbm>> -> memref<16384xf32, #tpu.memory_space<hbm>>
    tpu.wait_dma2 semaphore(%arg10 : memref<!tpu.dma_semaphore, #tpu.memory_space<semaphore_mem>>) src(%dma_wait3A_6 : memref<16384xf32, #tpu.memory_space<hbm>>) dst(%arg6 : memref<16384xf32, #tpu.memory_space<vmem>>)
    %dma_wait3A_7 = tpu.memref_slice %arg3[%mul3A_2] : memref<524288xf32, #tpu.memory_space<hbm>> -> memref<16384xf32, #tpu.memory_space<hbm>>
    %dma_wait3A_8 = tpu.memref_slice %arg3[%mul3A_2] : memref<524288xf32, #tpu.memory_space<hbm>> -> memref<16384xf32, #tpu.memory_space<hbm>>
    tpu.wait_dma2 semaphore(%arg11 : memref<!tpu.dma_semaphore, #tpu.memory_space<semaphore_mem>>) src(%dma_wait3A_8 : memref<16384xf32, #tpu.memory_space<hbm>>) dst(%arg7 : memref<16384xf32, #tpu.memory_space<vmem>>)
    tpu.wait_dma2 semaphore(%arg12 : memref<!tpu.dma_semaphore, #tpu.memory_space<semaphore_mem>>) src(%arg4 : memref<128xf32, #tpu.memory_space<hbm>>) dst(%arg8 : memref<128xf32, #tpu.memory_space<vmem>>)
    %iota3A = tpu.iota {dimensions = array<i32: 0>} : vector<16xi32>
    %mul3A_9 = arith.constant 128 : i32
    %mul3A_10 = vector.broadcast %mul3A_9 : i32 to vector<16xi32>
    %mul3A_11 = arith.muli %iota3A, %mul3A_10 : vector<16xi32>
    %broadcast_in_dim3A = arith.constant 0.000000e+00 : f32
    %broadcast_in_dim3A_12 = vector.broadcast %broadcast_in_dim3A : f32 to vector<16xf32>
    %add3A_13 = arith.constant 0 : i32
    %add3A_14 = vector.broadcast %add3A_13 : i32 to vector<16xi32>
    %add3A_15 = arith.addi %mul3A_11, %add3A_14 : vector<16xi32>
    %scan3A = arith.constant 5.000000e+00 : f32
    %scan3A_16 = arith.constant 0xFF800000 : f32
    %scan3A_17 = arith.constant 0 : i32
    %scan3A_18 = arith.constant 32 : i32
    %scan3A_19 = arith.addi %scan3A_17, %scan3A_18 : i32
    %scan3A_20 = arith.constant 1 : i32
    %scan3A_21:4 = scf.for %scan3A_141 = %scan3A_17 to %scan3A_19 step %scan3A_20 iter_args(%scan3A_142 = %broadcast_in_dim3A_12, %scan3A_143 = %broadcast_in_dim3A_12, %scan3A_144 = %broadcast_in_dim3A_12, %scan3A_145 = %broadcast_in_dim3A_12) -> (vector<16xf32>, vector<16xf32>, vector<16xf32>, vector<16xf32>)  : i32 {
      %mul3A_146 = arith.constant 4 : i32
      %mul3A_147 = arith.muli %scan3A_141, %mul3A_146 : i32
      %add3A_148 = arith.constant 0 : i32
      %add3A_149 = arith.addi %mul3A_147, %add3A_148 : i32
      %add3A_150 = vector.broadcast %add3A_149 : i32 to vector<16xi32>
      %add3A_151 = arith.addi %add3A_15, %add3A_150 : vector<16xi32>
      %gather3A = tpu.vector_load_idx %arg6[%add3A_151] : memref<16384xf32, #tpu.memory_space<vmem>>[vector<16xi32>], vector<16xf32>,
      %gather3A_152 = tpu.vector_load_idx %arg7[%add3A_151] : memref<16384xf32, #tpu.memory_space<vmem>>[vector<16xi32>], vector<16xf32>,
      %convert_element_type3A = arith.fptosi %gather3A : vector<16xf32> to vector<16xi32>
      %gather3A_153 = tpu.vector_load_idx %arg8[%convert_element_type3A] : memref<128xf32, #tpu.memory_space<vmem>>[vector<16xi32>], vector<16xf32>,
      %sub3A = arith.subf %gather3A, %gather3A_152 : vector<16xf32>
      %abs3A = math.absf %sub3A : vector<16xf32>
      %le3A = vector.broadcast %scan3A : f32 to vector<16xf32>
      %le3A_154 = arith.cmpf ole, %abs3A, %le3A : vector<16xf32>
      %broadcast_in_dim3A_155 = vector.broadcast %scan3A_16 : f32 to vector<16xf32>
      %select_n3A = arith.select %le3A_154, %gather3A_153, %broadcast_in_dim3A_155 : vector<16xi1>, vector<16xf32>
      %add3A_156 = arith.addf %scan3A_142, %select_n3A : vector<16xf32>
      %mul3A_157 = arith.constant 4 : i32
      %mul3A_158 = arith.muli %scan3A_141, %mul3A_157 : i32
      %add3A_159 = arith.constant 1 : i32
      %add3A_160 = arith.addi %mul3A_158, %add3A_159 : i32
      %add3A_161 = vector.broadcast %add3A_160 : i32 to vector<16xi32>
      %add3A_162 = arith.addi %add3A_15, %add3A_161 : vector<16xi32>
      %gather3A_163 = tpu.vector_load_idx %arg6[%add3A_162] : memref<16384xf32, #tpu.memory_space<vmem>>[vector<16xi32>], vector<16xf32>,
      %gather3A_164 = tpu.vector_load_idx %arg7[%add3A_162] : memref<16384xf32, #tpu.memory_space<vmem>>[vector<16xi32>], vector<16xf32>,
      %convert_element_type3A_165 = arith.fptosi %gather3A_163 : vector<16xf32> to vector<16xi32>
      %gather3A_166 = tpu.vector_load_idx %arg8[%convert_element_type3A_165] : memref<128xf32, #tpu.memory_space<vmem>>[vector<16xi32>], vector<16xf32>,
      %sub3A_167 = arith.subf %gather3A_163, %gather3A_164 : vector<16xf32>
      %abs3A_168 = math.absf %sub3A_167 : vector<16xf32>
      %le3A_169 = vector.broadcast %scan3A : f32 to vector<16xf32>
      %le3A_170 = arith.cmpf ole, %abs3A_168, %le3A_169 : vector<16xf32>
      %broadcast_in_dim3A_171 = vector.broadcast %scan3A_16 : f32 to vector<16xf32>
      %select_n3A_172 = arith.select %le3A_170, %gather3A_166, %broadcast_in_dim3A_171 : vector<16xi1>, vector<16xf32>
      %add3A_173 = arith.addf %scan3A_143, %select_n3A_172 : vector<16xf32>
      %mul3A_174 = arith.constant 4 : i32
      %mul3A_175 = arith.muli %scan3A_141, %mul3A_174 : i32
      %add3A_176 = arith.constant 2 : i32
      %add3A_177 = arith.addi %mul3A_175, %add3A_176 : i32
      %add3A_178 = vector.broadcast %add3A_177 : i32 to vector<16xi32>
      %add3A_179 = arith.addi %add3A_15, %add3A_178 : vector<16xi32>
      %gather3A_180 = tpu.vector_load_idx %arg6[%add3A_179] : memref<16384xf32, #tpu.memory_space<vmem>>[vector<16xi32>], vector<16xf32>,
      %gather3A_181 = tpu.vector_load_idx %arg7[%add3A_179] : memref<16384xf32, #tpu.memory_space<vmem>>[vector<16xi32>], vector<16xf32>,
      %convert_element_type3A_182 = arith.fptosi %gather3A_180 : vector<16xf32> to vector<16xi32>
      %gather3A_183 = tpu.vector_load_idx %arg8[%convert_element_type3A_182] : memref<128xf32, #tpu.memory_space<vmem>>[vector<16xi32>], vector<16xf32>,
      %sub3A_184 = arith.subf %gather3A_180, %gather3A_181 : vector<16xf32>
      %abs3A_185 = math.absf %sub3A_184 : vector<16xf32>
      %le3A_186 = vector.broadcast %scan3A : f32 to vector<16xf32>
      %le3A_187 = arith.cmpf ole, %abs3A_185, %le3A_186 : vector<16xf32>
      %broadcast_in_dim3A_188 = vector.broadcast %scan3A_16 : f32 to vector<16xf32>
      %select_n3A_189 = arith.select %le3A_187, %gather3A_183, %broadcast_in_dim3A_188 : vector<16xi1>, vector<16xf32>
      %add3A_190 = arith.addf %scan3A_144, %select_n3A_189 : vector<16xf32>
      %mul3A_191 = arith.constant 4 : i32
      %mul3A_192 = arith.muli %scan3A_141, %mul3A_191 : i32
      %add3A_193 = arith.constant 3 : i32
      %add3A_194 = arith.addi %mul3A_192, %add3A_193 : i32
      %add3A_195 = vector.broadcast %add3A_194 : i32 to vector<16xi32>
      %add3A_196 = arith.addi %add3A_15, %add3A_195 : vector<16xi32>
      %gather3A_197 = tpu.vector_load_idx %arg6[%add3A_196] : memref<16384xf32, #tpu.memory_space<vmem>>[vector<16xi32>], vector<16xf32>,
      %gather3A_198 = tpu.vector_load_idx %arg7[%add3A_196] : memref<16384xf32, #tpu.memory_space<vmem>>[vector<16xi32>], vector<16xf32>,
      %convert_element_type3A_199 = arith.fptosi %gather3A_197 : vector<16xf32> to vector<16xi32>
      %gather3A_200 = tpu.vector_load_idx %arg8[%convert_element_type3A_199] : memref<128xf32, #tpu.memory_space<vmem>>[vector<16xi32>], vector<16xf32>,
      %sub3A_201 = arith.subf %gather3A_197, %gather3A_198 : vector<16xf32>
      %abs3A_202 = math.absf %sub3A_201 : vector<16xf32>
      %le3A_203 = vector.broadcast %scan3A : f32 to vector<16xf32>
      %le3A_204 = arith.cmpf ole, %abs3A_202, %le3A_203 : vector<16xf32>
      %broadcast_in_dim3A_205 = vector.broadcast %scan3A_16 : f32 to vector<16xf32>
      %select_n3A_206 = arith.select %le3A_204, %gather3A_200, %broadcast_in_dim3A_205 : vector<16xi1>, vector<16xf32>
      %add3A_207 = arith.addf %scan3A_145, %select_n3A_206 : vector<16xf32>
      scf.yield %add3A_156, %add3A_173, %add3A_190, %add3A_207 : vector<16xf32>, vector<16xf32>, vector<16xf32>, vector<16xf32>
    }
    %scan3A_22 = arith.constant 32 : i32
    %add3A_23 = arith.addf %scan3A_21#0, %scan3A_21#1 : vector<16xf32>
    %add3A_24 = arith.addf %scan3A_21#2, %scan3A_21#3 : vector<16xf32>
    %add3A_25 = arith.addf %add3A_23, %add3A_24 : vector<16xf32>
    %swap3A = arith.constant 0 : index
    %swap3A_26 = tpu.vector_load %arg9[%swap3A] {strides = array<i32>} : memref<128xf32, #tpu.memory_space<vmem>>, vector<16xf32>,
    tpu.vector_store %arg9[%swap3A], %add3A_25 {strides = array<i32>} : memref<128xf32, #tpu.memory_space<vmem>>, vector<16xf32>,
    %add3A_27 = arith.constant 2048 : i32
    %add3A_28 = vector.broadcast %add3A_27 : i32 to vector<16xi32>
    %add3A_29 = arith.addi %mul3A_11, %add3A_28 : vector<16xi32>
    %scan3A_30 = arith.constant 5.000000e+00 : f32
    %scan3A_31 = arith.constant 0xFF800000 : f32
    %scan3A_32 = arith.constant 0 : i32
    %scan3A_33 = arith.constant 32 : i32
    %scan3A_34 = arith.addi %scan3A_32, %scan3A_33 : i32
    %scan3A_35 = arith.constant 1 : i32
    %scan3A_36:4 = scf.for %scan3A_141 = %scan3A_32 to %scan3A_34 step %scan3A_35 iter_args(%scan3A_142 = %broadcast_in_dim3A_12, %scan3A_143 = %broadcast_in_dim3A_12, %scan3A_144 = %broadcast_in_dim3A_12, %scan3A_145 = %broadcast_in_dim3A_12) -> (vector<16xf32>, vector<16xf32>, vector<16xf32>, vector<16xf32>)  : i32 {
      %mul3A_146 = arith.constant 4 : i32
      %mul3A_147 = arith.muli %scan3A_141, %mul3A_146 : i32
      %add3A_148 = arith.constant 0 : i32
      %add3A_149 = arith.addi %mul3A_147, %add3A_148 : i32
      %add3A_150 = vector.broadcast %add3A_149 : i32 to vector<16xi32>
      %add3A_151 = arith.addi %add3A_29, %add3A_150 : vector<16xi32>
      %gather3A = tpu.vector_load_idx %arg6[%add3A_151] : memref<16384xf32, #tpu.memory_space<vmem>>[vector<16xi32>], vector<16xf32>,
      %gather3A_152 = tpu.vector_load_idx %arg7[%add3A_151] : memref<16384xf32, #tpu.memory_space<vmem>>[vector<16xi32>], vector<16xf32>,
      %convert_element_type3A = arith.fptosi %gather3A : vector<16xf32> to vector<16xi32>
      %gather3A_153 = tpu.vector_load_idx %arg8[%convert_element_type3A] : memref<128xf32, #tpu.memory_space<vmem>>[vector<16xi32>], vector<16xf32>,
      %sub3A = arith.subf %gather3A, %gather3A_152 : vector<16xf32>
      %abs3A = math.absf %sub3A : vector<16xf32>
      %le3A = vector.broadcast %scan3A_30 : f32 to vector<16xf32>
      %le3A_154 = arith.cmpf ole, %abs3A, %le3A : vector<16xf32>
      %broadcast_in_dim3A_155 = vector.broadcast %scan3A_31 : f32 to vector<16xf32>
      %select_n3A = arith.select %le3A_154, %gather3A_153, %broadcast_in_dim3A_155 : vector<16xi1>, vector<16xf32>
      %add3A_156 = arith.addf %scan3A_142, %select_n3A : vector<16xf32>
      %mul3A_157 = arith.constant 4 : i32
      %mul3A_158 = arith.muli %scan3A_141, %mul3A_157 : i32
      %add3A_159 = arith.constant 1 : i32
      %add3A_160 = arith.addi %mul3A_158, %add3A_159 : i32
      %add3A_161 = vector.broadcast %add3A_160 : i32 to vector<16xi32>
      %add3A_162 = arith.addi %add3A_29, %add3A_161 : vector<16xi32>
      %gather3A_163 = tpu.vector_load_idx %arg6[%add3A_162] : memref<16384xf32, #tpu.memory_space<vmem>>[vector<16xi32>], vector<16xf32>,
      %gather3A_164 = tpu.vector_load_idx %arg7[%add3A_162] : memref<16384xf32, #tpu.memory_space<vmem>>[vector<16xi32>], vector<16xf32>,
      %convert_element_type3A_165 = arith.fptosi %gather3A_163 : vector<16xf32> to vector<16xi32>
      %gather3A_166 = tpu.vector_load_idx %arg8[%convert_element_type3A_165] : memref<128xf32, #tpu.memory_space<vmem>>[vector<16xi32>], vector<16xf32>,
      %sub3A_167 = arith.subf %gather3A_163, %gather3A_164 : vector<16xf32>
      %abs3A_168 = math.absf %sub3A_167 : vector<16xf32>
      %le3A_169 = vector.broadcast %scan3A_30 : f32 to vector<16xf32>
      %le3A_170 = arith.cmpf ole, %abs3A_168, %le3A_169 : vector<16xf32>
      %broadcast_in_dim3A_171 = vector.broadcast %scan3A_31 : f32 to vector<16xf32>
      %select_n3A_172 = arith.select %le3A_170, %gather3A_166, %broadcast_in_dim3A_171 : vector<16xi1>, vector<16xf32>
      %add3A_173 = arith.addf %scan3A_143, %select_n3A_172 : vector<16xf32>
      %mul3A_174 = arith.constant 4 : i32
      %mul3A_175 = arith.muli %scan3A_141, %mul3A_174 : i32
      %add3A_176 = arith.constant 2 : i32
      %add3A_177 = arith.addi %mul3A_175, %add3A_176 : i32
      %add3A_178 = vector.broadcast %add3A_177 : i32 to vector<16xi32>
      %add3A_179 = arith.addi %add3A_29, %add3A_178 : vector<16xi32>
      %gather3A_180 = tpu.vector_load_idx %arg6[%add3A_179] : memref<16384xf32, #tpu.memory_space<vmem>>[vector<16xi32>], vector<16xf32>,
      %gather3A_181 = tpu.vector_load_idx %arg7[%add3A_179] : memref<16384xf32, #tpu.memory_space<vmem>>[vector<16xi32>], vector<16xf32>,
      %convert_element_type3A_182 = arith.fptosi %gather3A_180 : vector<16xf32> to vector<16xi32>
      %gather3A_183 = tpu.vector_load_idx %arg8[%convert_element_type3A_182] : memref<128xf32, #tpu.memory_space<vmem>>[vector<16xi32>], vector<16xf32>,
      %sub3A_184 = arith.subf %gather3A_180, %gather3A_181 : vector<16xf32>
      %abs3A_185 = math.absf %sub3A_184 : vector<16xf32>
      %le3A_186 = vector.broadcast %scan3A_30 : f32 to vector<16xf32>
      %le3A_187 = arith.cmpf ole, %abs3A_185, %le3A_186 : vector<16xf32>
      %broadcast_in_dim3A_188 = vector.broadcast %scan3A_31 : f32 to vector<16xf32>
      %select_n3A_189 = arith.select %le3A_187, %gather3A_183, %broadcast_in_dim3A_188 : vector<16xi1>, vector<16xf32>
      %add3A_190 = arith.addf %scan3A_144, %select_n3A_189 : vector<16xf32>
      %mul3A_191 = arith.constant 4 : i32
      %mul3A_192 = arith.muli %scan3A_141, %mul3A_191 : i32
      %add3A_193 = arith.constant 3 : i32
      %add3A_194 = arith.addi %mul3A_192, %add3A_193 : i32
      %add3A_195 = vector.broadcast %add3A_194 : i32 to vector<16xi32>
      %add3A_196 = arith.addi %add3A_29, %add3A_195 : vector<16xi32>
      %gather3A_197 = tpu.vector_load_idx %arg6[%add3A_196] : memref<16384xf32, #tpu.memory_space<vmem>>[vector<16xi32>], vector<16xf32>,
      %gather3A_198 = tpu.vector_load_idx %arg7[%add3A_196] : memref<16384xf32, #tpu.memory_space<vmem>>[vector<16xi32>], vector<16xf32>,
      %convert_element_type3A_199 = arith.fptosi %gather3A_197 : vector<16xf32> to vector<16xi32>
      %gather3A_200 = tpu.vector_load_idx %arg8[%convert_element_type3A_199] : memref<128xf32, #tpu.memory_space<vmem>>[vector<16xi32>], vector<16xf32>,
      %sub3A_201 = arith.subf %gather3A_197, %gather3A_198 : vector<16xf32>
      %abs3A_202 = math.absf %sub3A_201 : vector<16xf32>
      %le3A_203 = vector.broadcast %scan3A_30 : f32 to vector<16xf32>
      %le3A_204 = arith.cmpf ole, %abs3A_202, %le3A_203 : vector<16xf32>
      %broadcast_in_dim3A_205 = vector.broadcast %scan3A_31 : f32 to vector<16xf32>
      %select_n3A_206 = arith.select %le3A_204, %gather3A_200, %broadcast_in_dim3A_205 : vector<16xi1>, vector<16xf32>
      %add3A_207 = arith.addf %scan3A_145, %select_n3A_206 : vector<16xf32>
      scf.yield %add3A_156, %add3A_173, %add3A_190, %add3A_207 : vector<16xf32>, vector<16xf32>, vector<16xf32>, vector<16xf32>
    }
    %scan3A_37 = arith.constant 32 : i32
    %add3A_38 = arith.addf %scan3A_36#0, %scan3A_36#1 : vector<16xf32>
    %add3A_39 = arith.addf %scan3A_36#2, %scan3A_36#3 : vector<16xf32>
    %add3A_40 = arith.addf %add3A_38, %add3A_39 : vector<16xf32>
    %swap3A_41 = arith.constant 16 : index
    %swap3A_42 = tpu.vector_load %arg9[%swap3A_41] {strides = array<i32>} : memref<128xf32, #tpu.memory_space<vmem>>, vector<16xf32>,
    tpu.vector_store %arg9[%swap3A_41], %add3A_40 {strides = array<i32>} : memref<128xf32, #tpu.memory_space<vmem>>, vector<16xf32>,
    %add3A_43 = arith.constant 4096 : i32
    %add3A_44 = vector.broadcast %add3A_43 : i32 to vector<16xi32>
    %add3A_45 = arith.addi %mul3A_11, %add3A_44 : vector<16xi32>
    %scan3A_46 = arith.constant 5.000000e+00 : f32
    %scan3A_47 = arith.constant 0xFF800000 : f32
    %scan3A_48 = arith.constant 0 : i32
    %scan3A_49 = arith.constant 32 : i32
    %scan3A_50 = arith.addi %scan3A_48, %scan3A_49 : i32
    %scan3A_51 = arith.constant 1 : i32
    %scan3A_52:4 = scf.for %scan3A_141 = %scan3A_48 to %scan3A_50 step %scan3A_51 iter_args(%scan3A_142 = %broadcast_in_dim3A_12, %scan3A_143 = %broadcast_in_dim3A_12, %scan3A_144 = %broadcast_in_dim3A_12, %scan3A_145 = %broadcast_in_dim3A_12) -> (vector<16xf32>, vector<16xf32>, vector<16xf32>, vector<16xf32>)  : i32 {
      %mul3A_146 = arith.constant 4 : i32
      %mul3A_147 = arith.muli %scan3A_141, %mul3A_146 : i32
      %add3A_148 = arith.constant 0 : i32
      %add3A_149 = arith.addi %mul3A_147, %add3A_148 : i32
      %add3A_150 = vector.broadcast %add3A_149 : i32 to vector<16xi32>
      %add3A_151 = arith.addi %add3A_45, %add3A_150 : vector<16xi32>
      %gather3A = tpu.vector_load_idx %arg6[%add3A_151] : memref<16384xf32, #tpu.memory_space<vmem>>[vector<16xi32>], vector<16xf32>,
      %gather3A_152 = tpu.vector_load_idx %arg7[%add3A_151] : memref<16384xf32, #tpu.memory_space<vmem>>[vector<16xi32>], vector<16xf32>,
      %convert_element_type3A = arith.fptosi %gather3A : vector<16xf32> to vector<16xi32>
      %gather3A_153 = tpu.vector_load_idx %arg8[%convert_element_type3A] : memref<128xf32, #tpu.memory_space<vmem>>[vector<16xi32>], vector<16xf32>,
      %sub3A = arith.subf %gather3A, %gather3A_152 : vector<16xf32>
      %abs3A = math.absf %sub3A : vector<16xf32>
      %le3A = vector.broadcast %scan3A_46 : f32 to vector<16xf32>
      %le3A_154 = arith.cmpf ole, %abs3A, %le3A : vector<16xf32>
      %broadcast_in_dim3A_155 = vector.broadcast %scan3A_47 : f32 to vector<16xf32>
      %select_n3A = arith.select %le3A_154, %gather3A_153, %broadcast_in_dim3A_155 : vector<16xi1>, vector<16xf32>
      %add3A_156 = arith.addf %scan3A_142, %select_n3A : vector<16xf32>
      %mul3A_157 = arith.constant 4 : i32
      %mul3A_158 = arith.muli %scan3A_141, %mul3A_157 : i32
      %add3A_159 = arith.constant 1 : i32
      %add3A_160 = arith.addi %mul3A_158, %add3A_159 : i32
      %add3A_161 = vector.broadcast %add3A_160 : i32 to vector<16xi32>
      %add3A_162 = arith.addi %add3A_45, %add3A_161 : vector<16xi32>
      %gather3A_163 = tpu.vector_load_idx %arg6[%add3A_162] : memref<16384xf32, #tpu.memory_space<vmem>>[vector<16xi32>], vector<16xf32>,
      %gather3A_164 = tpu.vector_load_idx %arg7[%add3A_162] : memref<16384xf32, #tpu.memory_space<vmem>>[vector<16xi32>], vector<16xf32>,
      %convert_element_type3A_165 = arith.fptosi %gather3A_163 : vector<16xf32> to vector<16xi32>
      %gather3A_166 = tpu.vector_load_idx %arg8[%convert_element_type3A_165] : memref<128xf32, #tpu.memory_space<vmem>>[vector<16xi32>], vector<16xf32>,
      %sub3A_167 = arith.subf %gather3A_163, %gather3A_164 : vector<16xf32>
      %abs3A_168 = math.absf %sub3A_167 : vector<16xf32>
      %le3A_169 = vector.broadcast %scan3A_46 : f32 to vector<16xf32>
      %le3A_170 = arith.cmpf ole, %abs3A_168, %le3A_169 : vector<16xf32>
      %broadcast_in_dim3A_171 = vector.broadcast %scan3A_47 : f32 to vector<16xf32>
      %select_n3A_172 = arith.select %le3A_170, %gather3A_166, %broadcast_in_dim3A_171 : vector<16xi1>, vector<16xf32>
      %add3A_173 = arith.addf %scan3A_143, %select_n3A_172 : vector<16xf32>
      %mul3A_174 = arith.constant 4 : i32
      %mul3A_175 = arith.muli %scan3A_141, %mul3A_174 : i32
      %add3A_176 = arith.constant 2 : i32
      %add3A_177 = arith.addi %mul3A_175, %add3A_176 : i32
      %add3A_178 = vector.broadcast %add3A_177 : i32 to vector<16xi32>
      %add3A_179 = arith.addi %add3A_45, %add3A_178 : vector<16xi32>
      %gather3A_180 = tpu.vector_load_idx %arg6[%add3A_179] : memref<16384xf32, #tpu.memory_space<vmem>>[vector<16xi32>], vector<16xf32>,
      %gather3A_181 = tpu.vector_load_idx %arg7[%add3A_179] : memref<16384xf32, #tpu.memory_space<vmem>>[vector<16xi32>], vector<16xf32>,
      %convert_element_type3A_182 = arith.fptosi %gather3A_180 : vector<16xf32> to vector<16xi32>
      %gather3A_183 = tpu.vector_load_idx %arg8[%convert_element_type3A_182] : memref<128xf32, #tpu.memory_space<vmem>>[vector<16xi32>], vector<16xf32>,
      %sub3A_184 = arith.subf %gather3A_180, %gather3A_181 : vector<16xf32>
      %abs3A_185 = math.absf %sub3A_184 : vector<16xf32>
      %le3A_186 = vector.broadcast %scan3A_46 : f32 to vector<16xf32>
      %le3A_187 = arith.cmpf ole, %abs3A_185, %le3A_186 : vector<16xf32>
      %broadcast_in_dim3A_188 = vector.broadcast %scan3A_47 : f32 to vector<16xf32>
      %select_n3A_189 = arith.select %le3A_187, %gather3A_183, %broadcast_in_dim3A_188 : vector<16xi1>, vector<16xf32>
      %add3A_190 = arith.addf %scan3A_144, %select_n3A_189 : vector<16xf32>
      %mul3A_191 = arith.constant 4 : i32
      %mul3A_192 = arith.muli %scan3A_141, %mul3A_191 : i32
      %add3A_193 = arith.constant 3 : i32
      %add3A_194 = arith.addi %mul3A_192, %add3A_193 : i32
      %add3A_195 = vector.broadcast %add3A_194 : i32 to vector<16xi32>
      %add3A_196 = arith.addi %add3A_45, %add3A_195 : vector<16xi32>
      %gather3A_197 = tpu.vector_load_idx %arg6[%add3A_196] : memref<16384xf32, #tpu.memory_space<vmem>>[vector<16xi32>], vector<16xf32>,
      %gather3A_198 = tpu.vector_load_idx %arg7[%add3A_196] : memref<16384xf32, #tpu.memory_space<vmem>>[vector<16xi32>], vector<16xf32>,
      %convert_element_type3A_199 = arith.fptosi %gather3A_197 : vector<16xf32> to vector<16xi32>
      %gather3A_200 = tpu.vector_load_idx %arg8[%convert_element_type3A_199] : memref<128xf32, #tpu.memory_space<vmem>>[vector<16xi32>], vector<16xf32>,
      %sub3A_201 = arith.subf %gather3A_197, %gather3A_198 : vector<16xf32>
      %abs3A_202 = math.absf %sub3A_201 : vector<16xf32>
      %le3A_203 = vector.broadcast %scan3A_46 : f32 to vector<16xf32>
      %le3A_204 = arith.cmpf ole, %abs3A_202, %le3A_203 : vector<16xf32>
      %broadcast_in_dim3A_205 = vector.broadcast %scan3A_47 : f32 to vector<16xf32>
      %select_n3A_206 = arith.select %le3A_204, %gather3A_200, %broadcast_in_dim3A_205 : vector<16xi1>, vector<16xf32>
      %add3A_207 = arith.addf %scan3A_145, %select_n3A_206 : vector<16xf32>
      scf.yield %add3A_156, %add3A_173, %add3A_190, %add3A_207 : vector<16xf32>, vector<16xf32>, vector<16xf32>, vector<16xf32>
    }
    %scan3A_53 = arith.constant 32 : i32
    %add3A_54 = arith.addf %scan3A_52#0, %scan3A_52#1 : vector<16xf32>
    %add3A_55 = arith.addf %scan3A_52#2, %scan3A_52#3 : vector<16xf32>
    %add3A_56 = arith.addf %add3A_54, %add3A_55 : vector<16xf32>
    %swap3A_57 = arith.constant 32 : index
    %swap3A_58 = tpu.vector_load %arg9[%swap3A_57] {strides = array<i32>} : memref<128xf32, #tpu.memory_space<vmem>>, vector<16xf32>,
    tpu.vector_store %arg9[%swap3A_57], %add3A_56 {strides = array<i32>} : memref<128xf32, #tpu.memory_space<vmem>>, vector<16xf32>,
    %add3A_59 = arith.constant 6144 : i32
    %add3A_60 = vector.broadcast %add3A_59 : i32 to vector<16xi32>
    %add3A_61 = arith.addi %mul3A_11, %add3A_60 : vector<16xi32>
    %scan3A_62 = arith.constant 5.000000e+00 : f32
    %scan3A_63 = arith.constant 0xFF800000 : f32
    %scan3A_64 = arith.constant 0 : i32
    %scan3A_65 = arith.constant 32 : i32
    %scan3A_66 = arith.addi %scan3A_64, %scan3A_65 : i32
    %scan3A_67 = arith.constant 1 : i32
    %scan3A_68:4 = scf.for %scan3A_141 = %scan3A_64 to %scan3A_66 step %scan3A_67 iter_args(%scan3A_142 = %broadcast_in_dim3A_12, %scan3A_143 = %broadcast_in_dim3A_12, %scan3A_144 = %broadcast_in_dim3A_12, %scan3A_145 = %broadcast_in_dim3A_12) -> (vector<16xf32>, vector<16xf32>, vector<16xf32>, vector<16xf32>)  : i32 {
      %mul3A_146 = arith.constant 4 : i32
      %mul3A_147 = arith.muli %scan3A_141, %mul3A_146 : i32
      %add3A_148 = arith.constant 0 : i32
      %add3A_149 = arith.addi %mul3A_147, %add3A_148 : i32
      %add3A_150 = vector.broadcast %add3A_149 : i32 to vector<16xi32>
      %add3A_151 = arith.addi %add3A_61, %add3A_150 : vector<16xi32>
      %gather3A = tpu.vector_load_idx %arg6[%add3A_151] : memref<16384xf32, #tpu.memory_space<vmem>>[vector<16xi32>], vector<16xf32>,
      %gather3A_152 = tpu.vector_load_idx %arg7[%add3A_151] : memref<16384xf32, #tpu.memory_space<vmem>>[vector<16xi32>], vector<16xf32>,
      %convert_element_type3A = arith.fptosi %gather3A : vector<16xf32> to vector<16xi32>
      %gather3A_153 = tpu.vector_load_idx %arg8[%convert_element_type3A] : memref<128xf32, #tpu.memory_space<vmem>>[vector<16xi32>], vector<16xf32>,
      %sub3A = arith.subf %gather3A, %gather3A_152 : vector<16xf32>
      %abs3A = math.absf %sub3A : vector<16xf32>
      %le3A = vector.broadcast %scan3A_62 : f32 to vector<16xf32>
      %le3A_154 = arith.cmpf ole, %abs3A, %le3A : vector<16xf32>
      %broadcast_in_dim3A_155 = vector.broadcast %scan3A_63 : f32 to vector<16xf32>
      %select_n3A = arith.select %le3A_154, %gather3A_153, %broadcast_in_dim3A_155 : vector<16xi1>, vector<16xf32>
      %add3A_156 = arith.addf %scan3A_142, %select_n3A : vector<16xf32>
      %mul3A_157 = arith.constant 4 : i32
      %mul3A_158 = arith.muli %scan3A_141, %mul3A_157 : i32
      %add3A_159 = arith.constant 1 : i32
      %add3A_160 = arith.addi %mul3A_158, %add3A_159 : i32
      %add3A_161 = vector.broadcast %add3A_160 : i32 to vector<16xi32>
      %add3A_162 = arith.addi %add3A_61, %add3A_161 : vector<16xi32>
      %gather3A_163 = tpu.vector_load_idx %arg6[%add3A_162] : memref<16384xf32, #tpu.memory_space<vmem>>[vector<16xi32>], vector<16xf32>,
      %gather3A_164 = tpu.vector_load_idx %arg7[%add3A_162] : memref<16384xf32, #tpu.memory_space<vmem>>[vector<16xi32>], vector<16xf32>,
      %convert_element_type3A_165 = arith.fptosi %gather3A_163 : vector<16xf32> to vector<16xi32>
      %gather3A_166 = tpu.vector_load_idx %arg8[%convert_element_type3A_165] : memref<128xf32, #tpu.memory_space<vmem>>[vector<16xi32>], vector<16xf32>,
      %sub3A_167 = arith.subf %gather3A_163, %gather3A_164 : vector<16xf32>
      %abs3A_168 = math.absf %sub3A_167 : vector<16xf32>
      %le3A_169 = vector.broadcast %scan3A_62 : f32 to vector<16xf32>
      %le3A_170 = arith.cmpf ole, %abs3A_168, %le3A_169 : vector<16xf32>
      %broadcast_in_dim3A_171 = vector.broadcast %scan3A_63 : f32 to vector<16xf32>
      %select_n3A_172 = arith.select %le3A_170, %gather3A_166, %broadcast_in_dim3A_171 : vector<16xi1>, vector<16xf32>
      %add3A_173 = arith.addf %scan3A_143, %select_n3A_172 : vector<16xf32>
      %mul3A_174 = arith.constant 4 : i32
      %mul3A_175 = arith.muli %scan3A_141, %mul3A_174 : i32
      %add3A_176 = arith.constant 2 : i32
      %add3A_177 = arith.addi %mul3A_175, %add3A_176 : i32
      %add3A_178 = vector.broadcast %add3A_177 : i32 to vector<16xi32>
      %add3A_179 = arith.addi %add3A_61, %add3A_178 : vector<16xi32>
      %gather3A_180 = tpu.vector_load_idx %arg6[%add3A_179] : memref<16384xf32, #tpu.memory_space<vmem>>[vector<16xi32>], vector<16xf32>,
      %gather3A_181 = tpu.vector_load_idx %arg7[%add3A_179] : memref<16384xf32, #tpu.memory_space<vmem>>[vector<16xi32>], vector<16xf32>,
      %convert_element_type3A_182 = arith.fptosi %gather3A_180 : vector<16xf32> to vector<16xi32>
      %gather3A_183 = tpu.vector_load_idx %arg8[%convert_element_type3A_182] : memref<128xf32, #tpu.memory_space<vmem>>[vector<16xi32>], vector<16xf32>,
      %sub3A_184 = arith.subf %gather3A_180, %gather3A_181 : vector<16xf32>
      %abs3A_185 = math.absf %sub3A_184 : vector<16xf32>
      %le3A_186 = vector.broadcast %scan3A_62 : f32 to vector<16xf32>
      %le3A_187 = arith.cmpf ole, %abs3A_185, %le3A_186 : vector<16xf32>
      %broadcast_in_dim3A_188 = vector.broadcast %scan3A_63 : f32 to vector<16xf32>
      %select_n3A_189 = arith.select %le3A_187, %gather3A_183, %broadcast_in_dim3A_188 : vector<16xi1>, vector<16xf32>
      %add3A_190 = arith.addf %scan3A_144, %select_n3A_189 : vector<16xf32>
      %mul3A_191 = arith.constant 4 : i32
      %mul3A_192 = arith.muli %scan3A_141, %mul3A_191 : i32
      %add3A_193 = arith.constant 3 : i32
      %add3A_194 = arith.addi %mul3A_192, %add3A_193 : i32
      %add3A_195 = vector.broadcast %add3A_194 : i32 to vector<16xi32>
      %add3A_196 = arith.addi %add3A_61, %add3A_195 : vector<16xi32>
      %gather3A_197 = tpu.vector_load_idx %arg6[%add3A_196] : memref<16384xf32, #tpu.memory_space<vmem>>[vector<16xi32>], vector<16xf32>,
      %gather3A_198 = tpu.vector_load_idx %arg7[%add3A_196] : memref<16384xf32, #tpu.memory_space<vmem>>[vector<16xi32>], vector<16xf32>,
      %convert_element_type3A_199 = arith.fptosi %gather3A_197 : vector<16xf32> to vector<16xi32>
      %gather3A_200 = tpu.vector_load_idx %arg8[%convert_element_type3A_199] : memref<128xf32, #tpu.memory_space<vmem>>[vector<16xi32>], vector<16xf32>,
      %sub3A_201 = arith.subf %gather3A_197, %gather3A_198 : vector<16xf32>
      %abs3A_202 = math.absf %sub3A_201 : vector<16xf32>
      %le3A_203 = vector.broadcast %scan3A_62 : f32 to vector<16xf32>
      %le3A_204 = arith.cmpf ole, %abs3A_202, %le3A_203 : vector<16xf32>
      %broadcast_in_dim3A_205 = vector.broadcast %scan3A_63 : f32 to vector<16xf32>
      %select_n3A_206 = arith.select %le3A_204, %gather3A_200, %broadcast_in_dim3A_205 : vector<16xi1>, vector<16xf32>
      %add3A_207 = arith.addf %scan3A_145, %select_n3A_206 : vector<16xf32>
      scf.yield %add3A_156, %add3A_173, %add3A_190, %add3A_207 : vector<16xf32>, vector<16xf32>, vector<16xf32>, vector<16xf32>
    }
    %scan3A_69 = arith.constant 32 : i32
    %add3A_70 = arith.addf %scan3A_68#0, %scan3A_68#1 : vector<16xf32>
    %add3A_71 = arith.addf %scan3A_68#2, %scan3A_68#3 : vector<16xf32>
    %add3A_72 = arith.addf %add3A_70, %add3A_71 : vector<16xf32>
    %swap3A_73 = arith.constant 48 : index
    %swap3A_74 = tpu.vector_load %arg9[%swap3A_73] {strides = array<i32>} : memref<128xf32, #tpu.memory_space<vmem>>, vector<16xf32>,
    tpu.vector_store %arg9[%swap3A_73], %add3A_72 {strides = array<i32>} : memref<128xf32, #tpu.memory_space<vmem>>, vector<16xf32>,
    %add3A_75 = arith.constant 8192 : i32
    %add3A_76 = vector.broadcast %add3A_75 : i32 to vector<16xi32>
    %add3A_77 = arith.addi %mul3A_11, %add3A_76 : vector<16xi32>
    %scan3A_78 = arith.constant 5.000000e+00 : f32
    %scan3A_79 = arith.constant 0xFF800000 : f32
    %scan3A_80 = arith.constant 0 : i32
    %scan3A_81 = arith.constant 32 : i32
    %scan3A_82 = arith.addi %scan3A_80, %scan3A_81 : i32
    %scan3A_83 = arith.constant 1 : i32
    %scan3A_84:4 = scf.for %scan3A_141 = %scan3A_80 to %scan3A_82 step %scan3A_83 iter_args(%scan3A_142 = %broadcast_in_dim3A_12, %scan3A_143 = %broadcast_in_dim3A_12, %scan3A_144 = %broadcast_in_dim3A_12, %scan3A_145 = %broadcast_in_dim3A_12) -> (vector<16xf32>, vector<16xf32>, vector<16xf32>, vector<16xf32>)  : i32 {
      %mul3A_146 = arith.constant 4 : i32
      %mul3A_147 = arith.muli %scan3A_141, %mul3A_146 : i32
      %add3A_148 = arith.constant 0 : i32
      %add3A_149 = arith.addi %mul3A_147, %add3A_148 : i32
      %add3A_150 = vector.broadcast %add3A_149 : i32 to vector<16xi32>
      %add3A_151 = arith.addi %add3A_77, %add3A_150 : vector<16xi32>
      %gather3A = tpu.vector_load_idx %arg6[%add3A_151] : memref<16384xf32, #tpu.memory_space<vmem>>[vector<16xi32>], vector<16xf32>,
      %gather3A_152 = tpu.vector_load_idx %arg7[%add3A_151] : memref<16384xf32, #tpu.memory_space<vmem>>[vector<16xi32>], vector<16xf32>,
      %convert_element_type3A = arith.fptosi %gather3A : vector<16xf32> to vector<16xi32>
      %gather3A_153 = tpu.vector_load_idx %arg8[%convert_element_type3A] : memref<128xf32, #tpu.memory_space<vmem>>[vector<16xi32>], vector<16xf32>,
      %sub3A = arith.subf %gather3A, %gather3A_152 : vector<16xf32>
      %abs3A = math.absf %sub3A : vector<16xf32>
      %le3A = vector.broadcast %scan3A_78 : f32 to vector<16xf32>
      %le3A_154 = arith.cmpf ole, %abs3A, %le3A : vector<16xf32>
      %broadcast_in_dim3A_155 = vector.broadcast %scan3A_79 : f32 to vector<16xf32>
      %select_n3A = arith.select %le3A_154, %gather3A_153, %broadcast_in_dim3A_155 : vector<16xi1>, vector<16xf32>
      %add3A_156 = arith.addf %scan3A_142, %select_n3A : vector<16xf32>
      %mul3A_157 = arith.constant 4 : i32
      %mul3A_158 = arith.muli %scan3A_141, %mul3A_157 : i32
      %add3A_159 = arith.constant 1 : i32
      %add3A_160 = arith.addi %mul3A_158, %add3A_159 : i32
      %add3A_161 = vector.broadcast %add3A_160 : i32 to vector<16xi32>
      %add3A_162 = arith.addi %add3A_77, %add3A_161 : vector<16xi32>
      %gather3A_163 = tpu.vector_load_idx %arg6[%add3A_162] : memref<16384xf32, #tpu.memory_space<vmem>>[vector<16xi32>], vector<16xf32>,
      %gather3A_164 = tpu.vector_load_idx %arg7[%add3A_162] : memref<16384xf32, #tpu.memory_space<vmem>>[vector<16xi32>], vector<16xf32>,
      %convert_element_type3A_165 = arith.fptosi %gather3A_163 : vector<16xf32> to vector<16xi32>
      %gather3A_166 = tpu.vector_load_idx %arg8[%convert_element_type3A_165] : memref<128xf32, #tpu.memory_space<vmem>>[vector<16xi32>], vector<16xf32>,
      %sub3A_167 = arith.subf %gather3A_163, %gather3A_164 : vector<16xf32>
      %abs3A_168 = math.absf %sub3A_167 : vector<16xf32>
      %le3A_169 = vector.broadcast %scan3A_78 : f32 to vector<16xf32>
      %le3A_170 = arith.cmpf ole, %abs3A_168, %le3A_169 : vector<16xf32>
      %broadcast_in_dim3A_171 = vector.broadcast %scan3A_79 : f32 to vector<16xf32>
      %select_n3A_172 = arith.select %le3A_170, %gather3A_166, %broadcast_in_dim3A_171 : vector<16xi1>, vector<16xf32>
      %add3A_173 = arith.addf %scan3A_143, %select_n3A_172 : vector<16xf32>
      %mul3A_174 = arith.constant 4 : i32
      %mul3A_175 = arith.muli %scan3A_141, %mul3A_174 : i32
      %add3A_176 = arith.constant 2 : i32
      %add3A_177 = arith.addi %mul3A_175, %add3A_176 : i32
      %add3A_178 = vector.broadcast %add3A_177 : i32 to vector<16xi32>
      %add3A_179 = arith.addi %add3A_77, %add3A_178 : vector<16xi32>
      %gather3A_180 = tpu.vector_load_idx %arg6[%add3A_179] : memref<16384xf32, #tpu.memory_space<vmem>>[vector<16xi32>], vector<16xf32>,
      %gather3A_181 = tpu.vector_load_idx %arg7[%add3A_179] : memref<16384xf32, #tpu.memory_space<vmem>>[vector<16xi32>], vector<16xf32>,
      %convert_element_type3A_182 = arith.fptosi %gather3A_180 : vector<16xf32> to vector<16xi32>
      %gather3A_183 = tpu.vector_load_idx %arg8[%convert_element_type3A_182] : memref<128xf32, #tpu.memory_space<vmem>>[vector<16xi32>], vector<16xf32>,
      %sub3A_184 = arith.subf %gather3A_180, %gather3A_181 : vector<16xf32>
      %abs3A_185 = math.absf %sub3A_184 : vector<16xf32>
      %le3A_186 = vector.broadcast %scan3A_78 : f32 to vector<16xf32>
      %le3A_187 = arith.cmpf ole, %abs3A_185, %le3A_186 : vector<16xf32>
      %broadcast_in_dim3A_188 = vector.broadcast %scan3A_79 : f32 to vector<16xf32>
      %select_n3A_189 = arith.select %le3A_187, %gather3A_183, %broadcast_in_dim3A_188 : vector<16xi1>, vector<16xf32>
      %add3A_190 = arith.addf %scan3A_144, %select_n3A_189 : vector<16xf32>
      %mul3A_191 = arith.constant 4 : i32
      %mul3A_192 = arith.muli %scan3A_141, %mul3A_191 : i32
      %add3A_193 = arith.constant 3 : i32
      %add3A_194 = arith.addi %mul3A_192, %add3A_193 : i32
      %add3A_195 = vector.broadcast %add3A_194 : i32 to vector<16xi32>
      %add3A_196 = arith.addi %add3A_77, %add3A_195 : vector<16xi32>
      %gather3A_197 = tpu.vector_load_idx %arg6[%add3A_196] : memref<16384xf32, #tpu.memory_space<vmem>>[vector<16xi32>], vector<16xf32>,
      %gather3A_198 = tpu.vector_load_idx %arg7[%add3A_196] : memref<16384xf32, #tpu.memory_space<vmem>>[vector<16xi32>], vector<16xf32>,
      %convert_element_type3A_199 = arith.fptosi %gather3A_197 : vector<16xf32> to vector<16xi32>
      %gather3A_200 = tpu.vector_load_idx %arg8[%convert_element_type3A_199] : memref<128xf32, #tpu.memory_space<vmem>>[vector<16xi32>], vector<16xf32>,
      %sub3A_201 = arith.subf %gather3A_197, %gather3A_198 : vector<16xf32>
      %abs3A_202 = math.absf %sub3A_201 : vector<16xf32>
      %le3A_203 = vector.broadcast %scan3A_78 : f32 to vector<16xf32>
      %le3A_204 = arith.cmpf ole, %abs3A_202, %le3A_203 : vector<16xf32>
      %broadcast_in_dim3A_205 = vector.broadcast %scan3A_79 : f32 to vector<16xf32>
      %select_n3A_206 = arith.select %le3A_204, %gather3A_200, %broadcast_in_dim3A_205 : vector<16xi1>, vector<16xf32>
      %add3A_207 = arith.addf %scan3A_145, %select_n3A_206 : vector<16xf32>
      scf.yield %add3A_156, %add3A_173, %add3A_190, %add3A_207 : vector<16xf32>, vector<16xf32>, vector<16xf32>, vector<16xf32>
    }
    %scan3A_85 = arith.constant 32 : i32
    %add3A_86 = arith.addf %scan3A_84#0, %scan3A_84#1 : vector<16xf32>
    %add3A_87 = arith.addf %scan3A_84#2, %scan3A_84#3 : vector<16xf32>
    %add3A_88 = arith.addf %add3A_86, %add3A_87 : vector<16xf32>
    %swap3A_89 = arith.constant 64 : index
    %swap3A_90 = tpu.vector_load %arg9[%swap3A_89] {strides = array<i32>} : memref<128xf32, #tpu.memory_space<vmem>>, vector<16xf32>,
    tpu.vector_store %arg9[%swap3A_89], %add3A_88 {strides = array<i32>} : memref<128xf32, #tpu.memory_space<vmem>>, vector<16xf32>,
    %add3A_91 = arith.constant 10240 : i32
    %add3A_92 = vector.broadcast %add3A_91 : i32 to vector<16xi32>
    %add3A_93 = arith.addi %mul3A_11, %add3A_92 : vector<16xi32>
    %scan3A_94 = arith.constant 5.000000e+00 : f32
    %scan3A_95 = arith.constant 0xFF800000 : f32
    %scan3A_96 = arith.constant 0 : i32
    %scan3A_97 = arith.constant 32 : i32
    %scan3A_98 = arith.addi %scan3A_96, %scan3A_97 : i32
    %scan3A_99 = arith.constant 1 : i32
    %scan3A_100:4 = scf.for %scan3A_141 = %scan3A_96 to %scan3A_98 step %scan3A_99 iter_args(%scan3A_142 = %broadcast_in_dim3A_12, %scan3A_143 = %broadcast_in_dim3A_12, %scan3A_144 = %broadcast_in_dim3A_12, %scan3A_145 = %broadcast_in_dim3A_12) -> (vector<16xf32>, vector<16xf32>, vector<16xf32>, vector<16xf32>)  : i32 {
      %mul3A_146 = arith.constant 4 : i32
      %mul3A_147 = arith.muli %scan3A_141, %mul3A_146 : i32
      %add3A_148 = arith.constant 0 : i32
      %add3A_149 = arith.addi %mul3A_147, %add3A_148 : i32
      %add3A_150 = vector.broadcast %add3A_149 : i32 to vector<16xi32>
      %add3A_151 = arith.addi %add3A_93, %add3A_150 : vector<16xi32>
      %gather3A = tpu.vector_load_idx %arg6[%add3A_151] : memref<16384xf32, #tpu.memory_space<vmem>>[vector<16xi32>], vector<16xf32>,
      %gather3A_152 = tpu.vector_load_idx %arg7[%add3A_151] : memref<16384xf32, #tpu.memory_space<vmem>>[vector<16xi32>], vector<16xf32>,
      %convert_element_type3A = arith.fptosi %gather3A : vector<16xf32> to vector<16xi32>
      %gather3A_153 = tpu.vector_load_idx %arg8[%convert_element_type3A] : memref<128xf32, #tpu.memory_space<vmem>>[vector<16xi32>], vector<16xf32>,
      %sub3A = arith.subf %gather3A, %gather3A_152 : vector<16xf32>
      %abs3A = math.absf %sub3A : vector<16xf32>
      %le3A = vector.broadcast %scan3A_94 : f32 to vector<16xf32>
      %le3A_154 = arith.cmpf ole, %abs3A, %le3A : vector<16xf32>
      %broadcast_in_dim3A_155 = vector.broadcast %scan3A_95 : f32 to vector<16xf32>
      %select_n3A = arith.select %le3A_154, %gather3A_153, %broadcast_in_dim3A_155 : vector<16xi1>, vector<16xf32>
      %add3A_156 = arith.addf %scan3A_142, %select_n3A : vector<16xf32>
      %mul3A_157 = arith.constant 4 : i32
      %mul3A_158 = arith.muli %scan3A_141, %mul3A_157 : i32
      %add3A_159 = arith.constant 1 : i32
      %add3A_160 = arith.addi %mul3A_158, %add3A_159 : i32
      %add3A_161 = vector.broadcast %add3A_160 : i32 to vector<16xi32>
      %add3A_162 = arith.addi %add3A_93, %add3A_161 : vector<16xi32>
      %gather3A_163 = tpu.vector_load_idx %arg6[%add3A_162] : memref<16384xf32, #tpu.memory_space<vmem>>[vector<16xi32>], vector<16xf32>,
      %gather3A_164 = tpu.vector_load_idx %arg7[%add3A_162] : memref<16384xf32, #tpu.memory_space<vmem>>[vector<16xi32>], vector<16xf32>,
      %convert_element_type3A_165 = arith.fptosi %gather3A_163 : vector<16xf32> to vector<16xi32>
      %gather3A_166 = tpu.vector_load_idx %arg8[%convert_element_type3A_165] : memref<128xf32, #tpu.memory_space<vmem>>[vector<16xi32>], vector<16xf32>,
      %sub3A_167 = arith.subf %gather3A_163, %gather3A_164 : vector<16xf32>
      %abs3A_168 = math.absf %sub3A_167 : vector<16xf32>
      %le3A_169 = vector.broadcast %scan3A_94 : f32 to vector<16xf32>
      %le3A_170 = arith.cmpf ole, %abs3A_168, %le3A_169 : vector<16xf32>
      %broadcast_in_dim3A_171 = vector.broadcast %scan3A_95 : f32 to vector<16xf32>
      %select_n3A_172 = arith.select %le3A_170, %gather3A_166, %broadcast_in_dim3A_171 : vector<16xi1>, vector<16xf32>
      %add3A_173 = arith.addf %scan3A_143, %select_n3A_172 : vector<16xf32>
      %mul3A_174 = arith.constant 4 : i32
      %mul3A_175 = arith.muli %scan3A_141, %mul3A_174 : i32
      %add3A_176 = arith.constant 2 : i32
      %add3A_177 = arith.addi %mul3A_175, %add3A_176 : i32
      %add3A_178 = vector.broadcast %add3A_177 : i32 to vector<16xi32>
      %add3A_179 = arith.addi %add3A_93, %add3A_178 : vector<16xi32>
      %gather3A_180 = tpu.vector_load_idx %arg6[%add3A_179] : memref<16384xf32, #tpu.memory_space<vmem>>[vector<16xi32>], vector<16xf32>,
      %gather3A_181 = tpu.vector_load_idx %arg7[%add3A_179] : memref<16384xf32, #tpu.memory_space<vmem>>[vector<16xi32>], vector<16xf32>,
      %convert_element_type3A_182 = arith.fptosi %gather3A_180 : vector<16xf32> to vector<16xi32>
      %gather3A_183 = tpu.vector_load_idx %arg8[%convert_element_type3A_182] : memref<128xf32, #tpu.memory_space<vmem>>[vector<16xi32>], vector<16xf32>,
      %sub3A_184 = arith.subf %gather3A_180, %gather3A_181 : vector<16xf32>
      %abs3A_185 = math.absf %sub3A_184 : vector<16xf32>
      %le3A_186 = vector.broadcast %scan3A_94 : f32 to vector<16xf32>
      %le3A_187 = arith.cmpf ole, %abs3A_185, %le3A_186 : vector<16xf32>
      %broadcast_in_dim3A_188 = vector.broadcast %scan3A_95 : f32 to vector<16xf32>
      %select_n3A_189 = arith.select %le3A_187, %gather3A_183, %broadcast_in_dim3A_188 : vector<16xi1>, vector<16xf32>
      %add3A_190 = arith.addf %scan3A_144, %select_n3A_189 : vector<16xf32>
      %mul3A_191 = arith.constant 4 : i32
      %mul3A_192 = arith.muli %scan3A_141, %mul3A_191 : i32
      %add3A_193 = arith.constant 3 : i32
      %add3A_194 = arith.addi %mul3A_192, %add3A_193 : i32
      %add3A_195 = vector.broadcast %add3A_194 : i32 to vector<16xi32>
      %add3A_196 = arith.addi %add3A_93, %add3A_195 : vector<16xi32>
      %gather3A_197 = tpu.vector_load_idx %arg6[%add3A_196] : memref<16384xf32, #tpu.memory_space<vmem>>[vector<16xi32>], vector<16xf32>,
      %gather3A_198 = tpu.vector_load_idx %arg7[%add3A_196] : memref<16384xf32, #tpu.memory_space<vmem>>[vector<16xi32>], vector<16xf32>,
      %convert_element_type3A_199 = arith.fptosi %gather3A_197 : vector<16xf32> to vector<16xi32>
      %gather3A_200 = tpu.vector_load_idx %arg8[%convert_element_type3A_199] : memref<128xf32, #tpu.memory_space<vmem>>[vector<16xi32>], vector<16xf32>,
      %sub3A_201 = arith.subf %gather3A_197, %gather3A_198 : vector<16xf32>
      %abs3A_202 = math.absf %sub3A_201 : vector<16xf32>
      %le3A_203 = vector.broadcast %scan3A_94 : f32 to vector<16xf32>
      %le3A_204 = arith.cmpf ole, %abs3A_202, %le3A_203 : vector<16xf32>
      %broadcast_in_dim3A_205 = vector.broadcast %scan3A_95 : f32 to vector<16xf32>
      %select_n3A_206 = arith.select %le3A_204, %gather3A_200, %broadcast_in_dim3A_205 : vector<16xi1>, vector<16xf32>
      %add3A_207 = arith.addf %scan3A_145, %select_n3A_206 : vector<16xf32>
      scf.yield %add3A_156, %add3A_173, %add3A_190, %add3A_207 : vector<16xf32>, vector<16xf32>, vector<16xf32>, vector<16xf32>
    }
    %scan3A_101 = arith.constant 32 : i32
    %add3A_102 = arith.addf %scan3A_100#0, %scan3A_100#1 : vector<16xf32>
    %add3A_103 = arith.addf %scan3A_100#2, %scan3A_100#3 : vector<16xf32>
    %add3A_104 = arith.addf %add3A_102, %add3A_103 : vector<16xf32>
    %swap3A_105 = arith.constant 80 : index
    %swap3A_106 = tpu.vector_load %arg9[%swap3A_105] {strides = array<i32>} : memref<128xf32, #tpu.memory_space<vmem>>, vector<16xf32>,
    tpu.vector_store %arg9[%swap3A_105], %add3A_104 {strides = array<i32>} : memref<128xf32, #tpu.memory_space<vmem>>, vector<16xf32>,
    %add3A_107 = arith.constant 12288 : i32
    %add3A_108 = vector.broadcast %add3A_107 : i32 to vector<16xi32>
    %add3A_109 = arith.addi %mul3A_11, %add3A_108 : vector<16xi32>
    %scan3A_110 = arith.constant 5.000000e+00 : f32
    %scan3A_111 = arith.constant 0xFF800000 : f32
    %scan3A_112 = arith.constant 0 : i32
    %scan3A_113 = arith.constant 32 : i32
    %scan3A_114 = arith.addi %scan3A_112, %scan3A_113 : i32
    %scan3A_115 = arith.constant 1 : i32
    %scan3A_116:4 = scf.for %scan3A_141 = %scan3A_112 to %scan3A_114 step %scan3A_115 iter_args(%scan3A_142 = %broadcast_in_dim3A_12, %scan3A_143 = %broadcast_in_dim3A_12, %scan3A_144 = %broadcast_in_dim3A_12, %scan3A_145 = %broadcast_in_dim3A_12) -> (vector<16xf32>, vector<16xf32>, vector<16xf32>, vector<16xf32>)  : i32 {
      %mul3A_146 = arith.constant 4 : i32
      %mul3A_147 = arith.muli %scan3A_141, %mul3A_146 : i32
      %add3A_148 = arith.constant 0 : i32
      %add3A_149 = arith.addi %mul3A_147, %add3A_148 : i32
      %add3A_150 = vector.broadcast %add3A_149 : i32 to vector<16xi32>
      %add3A_151 = arith.addi %add3A_109, %add3A_150 : vector<16xi32>
      %gather3A = tpu.vector_load_idx %arg6[%add3A_151] : memref<16384xf32, #tpu.memory_space<vmem>>[vector<16xi32>], vector<16xf32>,
      %gather3A_152 = tpu.vector_load_idx %arg7[%add3A_151] : memref<16384xf32, #tpu.memory_space<vmem>>[vector<16xi32>], vector<16xf32>,
      %convert_element_type3A = arith.fptosi %gather3A : vector<16xf32> to vector<16xi32>
      %gather3A_153 = tpu.vector_load_idx %arg8[%convert_element_type3A] : memref<128xf32, #tpu.memory_space<vmem>>[vector<16xi32>], vector<16xf32>,
      %sub3A = arith.subf %gather3A, %gather3A_152 : vector<16xf32>
      %abs3A = math.absf %sub3A : vector<16xf32>
      %le3A = vector.broadcast %scan3A_110 : f32 to vector<16xf32>
      %le3A_154 = arith.cmpf ole, %abs3A, %le3A : vector<16xf32>
      %broadcast_in_dim3A_155 = vector.broadcast %scan3A_111 : f32 to vector<16xf32>
      %select_n3A = arith.select %le3A_154, %gather3A_153, %broadcast_in_dim3A_155 : vector<16xi1>, vector<16xf32>
      %add3A_156 = arith.addf %scan3A_142, %select_n3A : vector<16xf32>
      %mul3A_157 = arith.constant 4 : i32
      %mul3A_158 = arith.muli %scan3A_141, %mul3A_157 : i32
      %add3A_159 = arith.constant 1 : i32
      %add3A_160 = arith.addi %mul3A_158, %add3A_159 : i32
      %add3A_161 = vector.broadcast %add3A_160 : i32 to vector<16xi32>
      %add3A_162 = arith.addi %add3A_109, %add3A_161 : vector<16xi32>
      %gather3A_163 = tpu.vector_load_idx %arg6[%add3A_162] : memref<16384xf32, #tpu.memory_space<vmem>>[vector<16xi32>], vector<16xf32>,
      %gather3A_164 = tpu.vector_load_idx %arg7[%add3A_162] : memref<16384xf32, #tpu.memory_space<vmem>>[vector<16xi32>], vector<16xf32>,
      %convert_element_type3A_165 = arith.fptosi %gather3A_163 : vector<16xf32> to vector<16xi32>
      %gather3A_166 = tpu.vector_load_idx %arg8[%convert_element_type3A_165] : memref<128xf32, #tpu.memory_space<vmem>>[vector<16xi32>], vector<16xf32>,
      %sub3A_167 = arith.subf %gather3A_163, %gather3A_164 : vector<16xf32>
      %abs3A_168 = math.absf %sub3A_167 : vector<16xf32>
      %le3A_169 = vector.broadcast %scan3A_110 : f32 to vector<16xf32>
      %le3A_170 = arith.cmpf ole, %abs3A_168, %le3A_169 : vector<16xf32>
      %broadcast_in_dim3A_171 = vector.broadcast %scan3A_111 : f32 to vector<16xf32>
      %select_n3A_172 = arith.select %le3A_170, %gather3A_166, %broadcast_in_dim3A_171 : vector<16xi1>, vector<16xf32>
      %add3A_173 = arith.addf %scan3A_143, %select_n3A_172 : vector<16xf32>
      %mul3A_174 = arith.constant 4 : i32
      %mul3A_175 = arith.muli %scan3A_141, %mul3A_174 : i32
      %add3A_176 = arith.constant 2 : i32
      %add3A_177 = arith.addi %mul3A_175, %add3A_176 : i32
      %add3A_178 = vector.broadcast %add3A_177 : i32 to vector<16xi32>
      %add3A_179 = arith.addi %add3A_109, %add3A_178 : vector<16xi32>
      %gather3A_180 = tpu.vector_load_idx %arg6[%add3A_179] : memref<16384xf32, #tpu.memory_space<vmem>>[vector<16xi32>], vector<16xf32>,
      %gather3A_181 = tpu.vector_load_idx %arg7[%add3A_179] : memref<16384xf32, #tpu.memory_space<vmem>>[vector<16xi32>], vector<16xf32>,
      %convert_element_type3A_182 = arith.fptosi %gather3A_180 : vector<16xf32> to vector<16xi32>
      %gather3A_183 = tpu.vector_load_idx %arg8[%convert_element_type3A_182] : memref<128xf32, #tpu.memory_space<vmem>>[vector<16xi32>], vector<16xf32>,
      %sub3A_184 = arith.subf %gather3A_180, %gather3A_181 : vector<16xf32>
      %abs3A_185 = math.absf %sub3A_184 : vector<16xf32>
      %le3A_186 = vector.broadcast %scan3A_110 : f32 to vector<16xf32>
      %le3A_187 = arith.cmpf ole, %abs3A_185, %le3A_186 : vector<16xf32>
      %broadcast_in_dim3A_188 = vector.broadcast %scan3A_111 : f32 to vector<16xf32>
      %select_n3A_189 = arith.select %le3A_187, %gather3A_183, %broadcast_in_dim3A_188 : vector<16xi1>, vector<16xf32>
      %add3A_190 = arith.addf %scan3A_144, %select_n3A_189 : vector<16xf32>
      %mul3A_191 = arith.constant 4 : i32
      %mul3A_192 = arith.muli %scan3A_141, %mul3A_191 : i32
      %add3A_193 = arith.constant 3 : i32
      %add3A_194 = arith.addi %mul3A_192, %add3A_193 : i32
      %add3A_195 = vector.broadcast %add3A_194 : i32 to vector<16xi32>
      %add3A_196 = arith.addi %add3A_109, %add3A_195 : vector<16xi32>
      %gather3A_197 = tpu.vector_load_idx %arg6[%add3A_196] : memref<16384xf32, #tpu.memory_space<vmem>>[vector<16xi32>], vector<16xf32>,
      %gather3A_198 = tpu.vector_load_idx %arg7[%add3A_196] : memref<16384xf32, #tpu.memory_space<vmem>>[vector<16xi32>], vector<16xf32>,
      %convert_element_type3A_199 = arith.fptosi %gather3A_197 : vector<16xf32> to vector<16xi32>
      %gather3A_200 = tpu.vector_load_idx %arg8[%convert_element_type3A_199] : memref<128xf32, #tpu.memory_space<vmem>>[vector<16xi32>], vector<16xf32>,
      %sub3A_201 = arith.subf %gather3A_197, %gather3A_198 : vector<16xf32>
      %abs3A_202 = math.absf %sub3A_201 : vector<16xf32>
      %le3A_203 = vector.broadcast %scan3A_110 : f32 to vector<16xf32>
      %le3A_204 = arith.cmpf ole, %abs3A_202, %le3A_203 : vector<16xf32>
      %broadcast_in_dim3A_205 = vector.broadcast %scan3A_111 : f32 to vector<16xf32>
      %select_n3A_206 = arith.select %le3A_204, %gather3A_200, %broadcast_in_dim3A_205 : vector<16xi1>, vector<16xf32>
      %add3A_207 = arith.addf %scan3A_145, %select_n3A_206 : vector<16xf32>
      scf.yield %add3A_156, %add3A_173, %add3A_190, %add3A_207 : vector<16xf32>, vector<16xf32>, vector<16xf32>, vector<16xf32>
    }
    %scan3A_117 = arith.constant 32 : i32
    %add3A_118 = arith.addf %scan3A_116#0, %scan3A_116#1 : vector<16xf32>
    %add3A_119 = arith.addf %scan3A_116#2, %scan3A_116#3 : vector<16xf32>
    %add3A_120 = arith.addf %add3A_118, %add3A_119 : vector<16xf32>
    %swap3A_121 = arith.constant 96 : index
    %swap3A_122 = tpu.vector_load %arg9[%swap3A_121] {strides = array<i32>} : memref<128xf32, #tpu.memory_space<vmem>>, vector<16xf32>,
    tpu.vector_store %arg9[%swap3A_121], %add3A_120 {strides = array<i32>} : memref<128xf32, #tpu.memory_space<vmem>>, vector<16xf32>,
    %add3A_123 = arith.constant 14336 : i32
    %add3A_124 = vector.broadcast %add3A_123 : i32 to vector<16xi32>
    %add3A_125 = arith.addi %mul3A_11, %add3A_124 : vector<16xi32>
    %scan3A_126 = arith.constant 5.000000e+00 : f32
    %scan3A_127 = arith.constant 0xFF800000 : f32
    %scan3A_128 = arith.constant 0 : i32
    %scan3A_129 = arith.constant 32 : i32
    %scan3A_130 = arith.addi %scan3A_128, %scan3A_129 : i32
    %scan3A_131 = arith.constant 1 : i32
    %scan3A_132:4 = scf.for %scan3A_141 = %scan3A_128 to %scan3A_130 step %scan3A_131 iter_args(%scan3A_142 = %broadcast_in_dim3A_12, %scan3A_143 = %broadcast_in_dim3A_12, %scan3A_144 = %broadcast_in_dim3A_12, %scan3A_145 = %broadcast_in_dim3A_12) -> (vector<16xf32>, vector<16xf32>, vector<16xf32>, vector<16xf32>)  : i32 {
      %mul3A_146 = arith.constant 4 : i32
      %mul3A_147 = arith.muli %scan3A_141, %mul3A_146 : i32
      %add3A_148 = arith.constant 0 : i32
      %add3A_149 = arith.addi %mul3A_147, %add3A_148 : i32
      %add3A_150 = vector.broadcast %add3A_149 : i32 to vector<16xi32>
      %add3A_151 = arith.addi %add3A_125, %add3A_150 : vector<16xi32>
      %gather3A = tpu.vector_load_idx %arg6[%add3A_151] : memref<16384xf32, #tpu.memory_space<vmem>>[vector<16xi32>], vector<16xf32>,
      %gather3A_152 = tpu.vector_load_idx %arg7[%add3A_151] : memref<16384xf32, #tpu.memory_space<vmem>>[vector<16xi32>], vector<16xf32>,
      %convert_element_type3A = arith.fptosi %gather3A : vector<16xf32> to vector<16xi32>
      %gather3A_153 = tpu.vector_load_idx %arg8[%convert_element_type3A] : memref<128xf32, #tpu.memory_space<vmem>>[vector<16xi32>], vector<16xf32>,
      %sub3A = arith.subf %gather3A, %gather3A_152 : vector<16xf32>
      %abs3A = math.absf %sub3A : vector<16xf32>
      %le3A = vector.broadcast %scan3A_126 : f32 to vector<16xf32>
      %le3A_154 = arith.cmpf ole, %abs3A, %le3A : vector<16xf32>
      %broadcast_in_dim3A_155 = vector.broadcast %scan3A_127 : f32 to vector<16xf32>
      %select_n3A = arith.select %le3A_154, %gather3A_153, %broadcast_in_dim3A_155 : vector<16xi1>, vector<16xf32>
      %add3A_156 = arith.addf %scan3A_142, %select_n3A : vector<16xf32>
      %mul3A_157 = arith.constant 4 : i32
      %mul3A_158 = arith.muli %scan3A_141, %mul3A_157 : i32
      %add3A_159 = arith.constant 1 : i32
      %add3A_160 = arith.addi %mul3A_158, %add3A_159 : i32
      %add3A_161 = vector.broadcast %add3A_160 : i32 to vector<16xi32>
      %add3A_162 = arith.addi %add3A_125, %add3A_161 : vector<16xi32>
      %gather3A_163 = tpu.vector_load_idx %arg6[%add3A_162] : memref<16384xf32, #tpu.memory_space<vmem>>[vector<16xi32>], vector<16xf32>,
      %gather3A_164 = tpu.vector_load_idx %arg7[%add3A_162] : memref<16384xf32, #tpu.memory_space<vmem>>[vector<16xi32>], vector<16xf32>,
      %convert_element_type3A_165 = arith.fptosi %gather3A_163 : vector<16xf32> to vector<16xi32>
      %gather3A_166 = tpu.vector_load_idx %arg8[%convert_element_type3A_165] : memref<128xf32, #tpu.memory_space<vmem>>[vector<16xi32>], vector<16xf32>,
      %sub3A_167 = arith.subf %gather3A_163, %gather3A_164 : vector<16xf32>
      %abs3A_168 = math.absf %sub3A_167 : vector<16xf32>
      %le3A_169 = vector.broadcast %scan3A_126 : f32 to vector<16xf32>
      %le3A_170 = arith.cmpf ole, %abs3A_168, %le3A_169 : vector<16xf32>
      %broadcast_in_dim3A_171 = vector.broadcast %scan3A_127 : f32 to vector<16xf32>
      %select_n3A_172 = arith.select %le3A_170, %gather3A_166, %broadcast_in_dim3A_171 : vector<16xi1>, vector<16xf32>
      %add3A_173 = arith.addf %scan3A_143, %select_n3A_172 : vector<16xf32>
      %mul3A_174 = arith.constant 4 : i32
      %mul3A_175 = arith.muli %scan3A_141, %mul3A_174 : i32
      %add3A_176 = arith.constant 2 : i32
      %add3A_177 = arith.addi %mul3A_175, %add3A_176 : i32
      %add3A_178 = vector.broadcast %add3A_177 : i32 to vector<16xi32>
      %add3A_179 = arith.addi %add3A_125, %add3A_178 : vector<16xi32>
      %gather3A_180 = tpu.vector_load_idx %arg6[%add3A_179] : memref<16384xf32, #tpu.memory_space<vmem>>[vector<16xi32>], vector<16xf32>,
      %gather3A_181 = tpu.vector_load_idx %arg7[%add3A_179] : memref<16384xf32, #tpu.memory_space<vmem>>[vector<16xi32>], vector<16xf32>,
      %convert_element_type3A_182 = arith.fptosi %gather3A_180 : vector<16xf32> to vector<16xi32>
      %gather3A_183 = tpu.vector_load_idx %arg8[%convert_element_type3A_182] : memref<128xf32, #tpu.memory_space<vmem>>[vector<16xi32>], vector<16xf32>,
      %sub3A_184 = arith.subf %gather3A_180, %gather3A_181 : vector<16xf32>
      %abs3A_185 = math.absf %sub3A_184 : vector<16xf32>
      %le3A_186 = vector.broadcast %scan3A_126 : f32 to vector<16xf32>
      %le3A_187 = arith.cmpf ole, %abs3A_185, %le3A_186 : vector<16xf32>
      %broadcast_in_dim3A_188 = vector.broadcast %scan3A_127 : f32 to vector<16xf32>
      %select_n3A_189 = arith.select %le3A_187, %gather3A_183, %broadcast_in_dim3A_188 : vector<16xi1>, vector<16xf32>
      %add3A_190 = arith.addf %scan3A_144, %select_n3A_189 : vector<16xf32>
      %mul3A_191 = arith.constant 4 : i32
      %mul3A_192 = arith.muli %scan3A_141, %mul3A_191 : i32
      %add3A_193 = arith.constant 3 : i32
      %add3A_194 = arith.addi %mul3A_192, %add3A_193 : i32
      %add3A_195 = vector.broadcast %add3A_194 : i32 to vector<16xi32>
      %add3A_196 = arith.addi %add3A_125, %add3A_195 : vector<16xi32>
      %gather3A_197 = tpu.vector_load_idx %arg6[%add3A_196] : memref<16384xf32, #tpu.memory_space<vmem>>[vector<16xi32>], vector<16xf32>,
      %gather3A_198 = tpu.vector_load_idx %arg7[%add3A_196] : memref<16384xf32, #tpu.memory_space<vmem>>[vector<16xi32>], vector<16xf32>,
      %convert_element_type3A_199 = arith.fptosi %gather3A_197 : vector<16xf32> to vector<16xi32>
      %gather3A_200 = tpu.vector_load_idx %arg8[%convert_element_type3A_199] : memref<128xf32, #tpu.memory_space<vmem>>[vector<16xi32>], vector<16xf32>,
      %sub3A_201 = arith.subf %gather3A_197, %gather3A_198 : vector<16xf32>
      %abs3A_202 = math.absf %sub3A_201 : vector<16xf32>
      %le3A_203 = vector.broadcast %scan3A_126 : f32 to vector<16xf32>
      %le3A_204 = arith.cmpf ole, %abs3A_202, %le3A_203 : vector<16xf32>
      %broadcast_in_dim3A_205 = vector.broadcast %scan3A_127 : f32 to vector<16xf32>
      %select_n3A_206 = arith.select %le3A_204, %gather3A_200, %broadcast_in_dim3A_205 : vector<16xi1>, vector<16xf32>
      %add3A_207 = arith.addf %scan3A_145, %select_n3A_206 : vector<16xf32>
      scf.yield %add3A_156, %add3A_173, %add3A_190, %add3A_207 : vector<16xf32>, vector<16xf32>, vector<16xf32>, vector<16xf32>
    }
    %scan3A_133 = arith.constant 32 : i32
    %add3A_134 = arith.addf %scan3A_132#0, %scan3A_132#1 : vector<16xf32>
    %add3A_135 = arith.addf %scan3A_132#2, %scan3A_132#3 : vector<16xf32>
    %add3A_136 = arith.addf %add3A_134, %add3A_135 : vector<16xf32>
    %swap3A_137 = arith.constant 112 : index
    %swap3A_138 = tpu.vector_load %arg9[%swap3A_137] {strides = array<i32>} : memref<128xf32, #tpu.memory_space<vmem>>, vector<16xf32>,
    tpu.vector_store %arg9[%swap3A_137], %add3A_136 {strides = array<i32>} : memref<128xf32, #tpu.memory_space<vmem>>, vector<16xf32>,
    %mul3A_139 = arith.constant 128 : i32
    %mul3A_140 = arith.muli %add3A, %mul3A_139 : i32
    "tpu.region"() ({
      %run_scoped3A = tpu.sem_alloc : memref<!tpu.dma_semaphore, #tpu.memory_space<semaphore_mem>>
      %dma_start3A_141 = tpu.memref_slice %arg5[%mul3A_140] : memref<4096xf32, #tpu.memory_space<hbm>> -> memref<128xf32, #tpu.memory_space<hbm>>
      %dma_start3A_142 = tpu.memref_slice %arg5[%mul3A_140] : memref<4096xf32, #tpu.memory_space<hbm>> -> memref<128xf32, #tpu.memory_space<hbm>>
      tpu.enqueue_dma source(%arg9 : memref<128xf32, #tpu.memory_space<vmem>>) target(%dma_start3A_142 : memref<128xf32, #tpu.memory_space<hbm>>) target_semaphore(%run_scoped3A : memref<!tpu.dma_semaphore, #tpu.memory_space<semaphore_mem>>)
      %dma_wait3A_143 = tpu.memref_slice %arg5[%mul3A_140] : memref<4096xf32, #tpu.memory_space<hbm>> -> memref<128xf32, #tpu.memory_space<hbm>>
      %dma_wait3A_144 = tpu.memref_slice %arg5[%mul3A_140] : memref<4096xf32, #tpu.memory_space<hbm>> -> memref<128xf32, #tpu.memory_space<hbm>>
      tpu.wait_dma2 semaphore(%run_scoped3A : memref<!tpu.dma_semaphore, #tpu.memory_space<semaphore_mem>>) src(%arg9 : memref<128xf32, #tpu.memory_space<vmem>>) dst(%dma_wait3A_144 : memref<128xf32, #tpu.memory_space<hbm>>)
      tpu.yield
    }) : () -> ()
    return
  }
}

</mosaic_0001>

<sc_bundles>
// kernel: kernel.3.cloned.1.call-start
scs
__scs_entry_jumppad:
0x0: {  	(pc) =	sbr.rel $0x88, $3  }
0x1: {  	(tag) =	ssettag $0x0;
	lr =	simm.s32 $0x1  }
0x2: {  	[smem:$0x3F9F] =	sst lr;
	_ =	strace $0xD0000000  }
0x3: {  	_ = 	snop  }
0x4: {  	_ = 	snop  }
0x5: {  	_ = 	snop  }
0x6: {  	_ = 	snop  }
0x7: {  	_ = 	snop  }
__scs_overlays_trampoline_lowered:
0x8: {  	[smem:$0x3FAE] =	sst s0  }
0x9: {  	[smem:$0x3FAF] =	sst s1  }
0xa: {  	[smem:$0x3FB0] =	sst s2  }
0xb: {  	[smem:$0x3FB1] =	sst s3  }
0xc: {  	[smem:$0x3FB2] =	sst s4  }
0xd: {  	[smem:$0x3FB3] =	sst s5  }
0xe: {  	[smem:$0x3FB4] =	sst s6  }
0xf: {  	[smem:$0x3FB5] =	sst s7  }
0x10: {  	[smem:$0x3FB6] =	sst s8  }
0x11: {  	[smem:$0x3FB7] =	sst s9;
	s0 =	simm.s32 @!p0 $0x0  }
0x12: {  	s1 =	sld [smem:$0x3F9D];
	s0 =	simm.s32 @p0 $0x1  }
0x13: {  	[smem:$0x3FB8] =	sst s0;
	s0 =	simm.s32 @!p1 $0x0  }
0x14: {  	s2 =	sld [smem:$0x3F9C];
	s0 =	simm.s32 @p1 $0x1  }
0x15: {  	[smem:$0x3FB9] =	sst s0;
	s0 =	simm.s32 @!p2 $0x0  }
0x16: {  	s3 =	sld [smem:$0x3FDB];
	s0 =	simm.s32 @p2 $0x1  }
0x17: {  	s4 =	simm.s32 $0x1BF5;
	[smem:$0x3FBB] =	sst s0  }
0x18: {  	s0 =	sld [smem:$0x3F9E];
	_ =	swait.ge [sflag:s4], $0x0  }
0x19: {  	s7 =	sld [smem:$0x3F9F]  }
0x1a: {  	s8 =	sadd.s32 $0xFFFFE003, lr  }
0x1b: {  	s9 =	sadd.s32 $0xFFFFFEF7, lr;
	s5 =	simm.s32 $0xFFFFFFFF;
	p2 =	slt.u32 s8, $0xFFFFF086  }
0x1c: {  	p1 =	slt.u32 s9, $0xF7A;
	s5 =	simm.s32 @!p2 $0x0  }
0x1d: {  	s5 =	simm.s32 @p1 $0x1;
	p0 =	seq.s32 s7, s2  }
0x1e: {  	s7 =	smul.u32 @!p0 $0xF7A, s2;
	p2 =	seq.s32 @!p0 s5, $0x0  }
0x1f: {  	s9 =	smul.u32 $0xF7A, s1;
	s8 =	simm.s32 @!p0 $0x1BF5;
	p2 =	por !p2, p0  }
0x20: {  	[sflag:s8] =	ssyncset.s32 @!p0 $0xFFFFF086;
	s6 =	sadd.s32 @!p0 s3, s7;
	s7 =	simm.s32 @!p0 $0x108  }
0x21: {  	s3 =	sadd.s32 s3, s9;
	s6 =	sadd.s32 @!p0 $0x88, s6;
	s7 =	simm.s32 @p2 $0x1082  }
0x22: {  	[simem:s7], [sflag:s8] =	dma.local @!p0 [hbm:s6], $0xF7A  }
0x23: {  	s9 =	sor.u32 $0xD0000000, s2;
	s6 =	simm.s32 $0x108;
	_ =	swait.ge @!p0 [sflag:s8], $0x0  }
0x24: {  	s3 =	sadd.s32 $0x88, s3;
	s6 =	simm.s32 @!p1 $0x1082;
	[sflag:s4] =	ssyncset.s32 $0xFFFFF086  }
0x25: {  	[simem:s6], [sflag:s4] =	dma.local [hbm:s3], $0xF7A  }
0x26: {  	[smem:$0x3F9F] =	sst s1;
	(tag) =	ssettag s2;
	_ =	strace s9  }
0x27: {  	s1 =	sld [smem:$0x3FAF]  }
0x28: {  	s2 =	sld [smem:$0x3FB0]  }
0x29: {  	s4 =	sld [smem:$0x3FB2]  }
0x2a: {  	p0 =	seq.s32 s5, $0x0;
	s5 =	sld [smem:$0x3FB3]  }
0x2b: {  	s6 =	sld [smem:$0x3FB4]  }
0x2c: {  	s7 =	sld [smem:$0x3FB5]  }
0x2d: {  	s3 =	simm.s32 $0x108;
	s8 =	sld [smem:$0x3FB6]  }
0x2e: {  	s3 =	simm.s32 @!p0 $0x1082;
	s9 =	sld [smem:$0x3FB7]  }
0x2f: {  	lr =	sadd.s32 s0, s3;
	s0 =	sld [smem:$0x3FAE]  }
0x30: {  	s3 =	sld [smem:$0x3FB1]  }
0x31: {  	[smem:$0x3FBA] =	sst s10  }
0x32: {  	s10 =	sld [smem:$0x3FB8];
	_ =	sdelay $0x3  }
0x33: {  	p0 =	seq.s32 s10, $0x1;
	s10 =	sld [smem:$0x3FBA];
	_ =	sdelay $0x3  }
0x34: {  	[smem:$0x3FBA] =	sst s10  }
0x35: {  	s10 =	sld [smem:$0x3FB9];
	_ =	sdelay $0x3  }
0x36: {  	p1 =	seq.s32 s10, $0x1;
	s10 =	sld [smem:$0x3FBA];
	_ =	sdelay $0x3  }
0x37: {  	[smem:$0x3FBA] =	sst s10  }
0x38: {  	s10 =	sld [smem:$0x3FBB]  }
0x39: {  	_ = 	snop;
	(pc) =	sbr.ind lr, $3  }
0x3a: {  	_ = 	snop  }
0x3b: {  	_ = 	snop  }
0x3c: {  	p2 =	seq.s32 s10, $0x1;
	s10 =	sld [smem:$0x3FBA]  }
0x3d: {  	_ =	shalt  }
0x3e: {  	_ =	shalt  }
0x3f: {  	_ =	shalt  }
0x40: {  	_ =	shalt  }
0x41: {  	_ =	shalt  }
0x42: {  	_ =	shalt  }
0x43: {  	_ =	shalt  }
0x44: {  	_ =	shalt  }
0x45: {  	_ =	shalt  }
0x46: {  	_ =	shalt  }
0x47: {  	_ =	shalt  }
0x48: {  	_ =	shalt  }
0x49: {  	_ =	shalt  }
0x4a: {  	_ =	shalt  }
0x4b: {  	_ =	shalt  }
0x4c: {  	_ =	shalt  }
0x4d: {  	_ =	shalt  }
0x4e: {  	_ =	shalt  }
0x4f: {  	_ =	shalt  }
0x50: {  	_ =	shalt  }
0x51: {  	_ =	shalt  }
0x52: {  	_ =	shalt  }
0x53: {  	_ =	shalt  }
0x54: {  	_ =	shalt  }
0x55: {  	_ =	shalt  }
0x56: {  	_ =	shalt  }
0x57: {  	_ =	shalt  }
0x58: {  	_ =	shalt  }
0x59: {  	_ =	shalt  }
0x5a: {  	_ =	shalt  }
0x5b: {  	_ =	shalt  }
0x5c: {  	_ =	shalt  }
0x5d: {  	_ =	shalt  }
0x5e: {  	_ =	shalt  }
0x5f: {  	_ =	shalt  }
0x60: {  	_ =	shalt  }
0x61: {  	_ =	shalt  }
0x62: {  	_ =	shalt  }
0x63: {  	_ =	shalt  }
0x64: {  	_ =	shalt  }
0x65: {  	_ =	shalt  }
0x66: {  	_ =	shalt  }
0x67: {  	_ =	shalt  }
0x68: {  	_ =	shalt  }
0x69: {  	_ =	shalt  }
0x6a: {  	_ =	shalt  }
0x6b: {  	_ =	shalt  }
0x6c: {  	_ =	shalt  }
0x6d: {  	_ =	shalt  }
0x6e: {  	_ =	shalt  }
0x6f: {  	_ =	shalt  }
0x70: {  	_ =	shalt  }
0x71: {  	_ =	shalt  }
0x72: {  	_ =	shalt  }
0x73: {  	_ =	shalt  }
0x74: {  	_ =	shalt  }
0x75: {  	_ =	shalt  }
0x76: {  	_ =	shalt  }
0x77: {  	_ =	shalt  }
0x78: {  	_ =	shalt  }
0x79: {  	_ =	shalt  }
0x7a: {  	_ =	shalt  }
0x7b: {  	_ =	shalt  }
0x7c: {  	_ =	shalt  }
0x7d: {  	_ =	shalt  }
0x7e: {  	_ =	shalt  }
0x7f: {  	_ =	shalt  }
0x80: {  	_ =	shalt  }
0x81: {  	_ =	shalt  }
0x82: {  	_ =	shalt  }
0x83: {  	_ =	shalt  }
0x84: {  	_ =	shalt  }
0x85: {  	_ =	shalt  }
0x86: {  	_ =	shalt  }
0x87: {  	_ =	shalt  }
.Lfunc_end0:
.L_simem_size_0:
called_computation_lowered:
.L_overlay_start_0:
0x88: {  	s2 =	sld [smem:$0x3FD9]  }
0x89: {  	s3 =	sld [smem:$0x3FFE];
	_ =	sdelay $0x1  }
0x8a: {  	s1 =	srdreg.scid  }
0x8b: {  	s0 =	sand.u32 $0x1, s1  }
0x8c: {  	s17 =	sshll.u32 s0, $0xA;
	s2 =	sadd.s32 s3, s2  }
0x8d: {  	s2 =	sadd.s32 s2, s17  }
0x8e: {  	[smem:$0x3FC6] =	sst s2  }
0x8f: {  	_ = 	snop  }
0x90: {  	s2 =	sld [smem:$0x3FC9]  }
0x91: {  	s18 =	sld [smem:$0x3FC8]  }
0x92: {  	s4 =	sld [smem:$0x3FD0];
	(tm) =	ssettm $0x1  }
0x93: {  	s5 =	sld [smem:$0x3FFB];
	_ =	sdelay $0x3  }
0x94: {  	_ =	strace s5  }
0x95: {  	s5 =	sld [smem:$0x3FFC];
	_ =	sdelay $0x3  }
0x96: {  	_ =	strace s5  }
0x97: {  	s5 =	sld [smem:$0x3FFD];
	_ =	sdelay $0x3  }
0x98: {  	_ =	strace s5  }
0x99: {  	_ =	strace $0x8FFFFFFF  }
0x9a: {  	s19 =	sld [smem:$0x3FDB];
	_ =	sdelay $0x1  }
0x9b: {  	s6 =	simm.s32 $_scs_section_size  }
0x9c: {  	s7 =	simm.s32 $_size__tile_overlayer_lowered;
	s8 =	simm.s32 $_tile_overlayer_lowered  }
0x9d: {  	s22 =	simm.s32 $0x1BFF;
	s21 =	sshll.u32 s8, $0x1;
	s5 =	sadd.s32 s6, s19  }
0x9e: {  	s9 =	simm.s32 $0x0;
	s20 =	sshll.u32 s7, $0x1;
	s7 =	sadd.s32 s21, s5  }
0x9f: {  	[timem:s9], [sflag:s22] =	dma.local [hbm:s7], s20  }
0xa0: {  	_ =	swait.ge [sflag:s22], s20  }
0xa1: {  	s6 =	ssub.s32 $0x0, s20;
	[sflag:s22] =	ssyncset.done $0x0  }
0xa2: {  	[sflag:s22] =	ssyncadd.s32 s6;
	_ =	sdelay $0x1  }
0xa3: {  	s23 =	simm.s32 $0x1B8B  }
0xa4: {  	_ =	swait.ge [sflag:s23], $0x1  }
0xa5: {  	[sflag:s23] =	ssyncset.done $0x0  }
0xa6: {  	s25 =	simm.s32 $0x1B8E;
	s24 =	sld [smem:$0x3FFE];
	[sflag:s23] =	ssyncadd.s32 $0xFFFFFFFF  }
0xa7: {  	s26 =	simm.s32 $execute0_lowered;
	[smem:$0x3FD2] =	sst s25  }
0xa8: {  	s7 =	sshll.u32 s26, $0x1;
	_ =	strace $0x80000046;
	[dreg:$0x1] =	wrdreg $0xFFFFFFFF  }
0xa9: {  	s28 =	simm.s32 $_size_execute0_lowered;
	s5 =	sadd.s32 s5, s7;
	[dreg:$0x0] =	wrdreg $0x0  }
0xaa: {  	s7 =	sshll.u32 s28, $0x1;
	[dreg:$0x2] =	wrdreg s5  }
0xab: {  	[dreg:$0x3] =	wrdreg s7  }
0xac: {  	[dreg:$0x4] =	wrdreg $0xC0  }
0xad: {  	_ =	task [dreg:s9], $0x5FFFF  }
0xae: {  	[dreg:$0x1] =	wrdreg $0xFFFFFFFF  }
0xaf: {  	[dreg:$0x0] =	wrdreg $0x60  }
0xb0: {  	[dreg:$0x2] =	wrdreg s2  }
0xb1: {  	[dreg:$0x3] =	wrdreg s18  }
0xb2: {  	[dreg:$0x4] =	wrdreg s24  }
0xb3: {  	[dreg:$0x5] =	wrdreg s4  }
0xb4: {  	[dreg:$0x6] =	wrdreg $0x9  }
0xb5: {  	_ =	task.clear_ibuf [dreg:s9], $0x7FFFF;
	_ =	strace $0x90000046  }
0xb6: {  	s29 =	simm.s32 $0x9;
	_ =	strace $0x80000048  }
0xb7: {  	_ =	swait.ge [sflag:s29], $0x1  }
0xb8: {  	[sflag:s29] =	ssyncadd.s32 $0xFFFFFFFF  }
0xb9: {  	_ =	strace $0x90000048  }
0xba: {  	_ =	sfence  }
0xbb: {  	s30 =	sld [smem:$0x0];
	_ =	sdelay $0x2  }
0xbc: {  	s31 =	sshll.u32 s1, $0xD;
	s1 =	sshrl.u32 s1, $0x2  }
0xbd: {  	s3 =	sand.u32 $0x4000, s31;
	s1 =	sadd.s32 s1, s30  }
0xbe: {  	s0 =	sor.u32 s3, s0;
	s1 =	sshll.u32 s1, $0x11  }
0xbf: {  	s0 =	sor.u32 s1, s0  }
0xc0: {  	s0 =	sadd.s32 $0x8F2B, s0  }
0xc1: {  	[sflag:s0] =	ssyncadd.remote.s32 $0x1  }
0xc2: {  	_ =	sfence.sel $0xFFFF  }
0xc3: {  	[dreg:$0x0] =	wrdreg $0xFFFFFFFF;
	(pc) =	sbr.abs _section_cstart, $3  }
0xc4: {  	[dreg:$0x1] =	wrdreg $0xFFFFFFFF  }
0xc5: {  	_ =	task.clear_ibuf [dreg:s9], $0x2FFFF;
	_ =	strace $0x9FFFFFFF  }
0xc6: {  	(tm) =	ssettm $0x7FFFFFFF  }
0xc7: {  	_ =	shalt  }
tec
execute0_lowered:
.L_overlay_start_1:
0x0: {  	(tag) =	ssettag $0x1  }
0x1: {  	s4 =	rddreg [dreg:$0x0]  }
0x2: {  	s5 =	rddreg [dreg:$0x1]  }
0x3: {  	s3 =	rddreg [dreg:$0x2]  }
0x4: {  	s6 =	rddreg [dreg:$0x3]  }
0x5: {  	s0 =	rddreg [dreg:$0x4];
	s2 =	simm.s32 $0x0;
	s7 =	srdreg.scid  }
0x6: {  	s1 =	stileid.u32;
	s11 =	simm.s32 $0x2;
	s12 =	simm.s32 $0x3  }
0x7: {  	s13 =	simm.s32 $0x8080;
	s14 =	simm.s32 $0x4;
	s15 =	simm.s32 $0x0  }
0x8: {  	[smem:$0x7FF] =	sst s2;
	s7 =	sand.u32 $0x1, s7;
	s9 =	sshll.u32 s1, $0x1  }
0x9: {  	v0 =	vlaneseq.u32;
	s3 =	sadd.s32 $0x400, s3;
	s8 =	ssub.s32 $0x2, s7;
	s7 =	sor.u32 s7, s9  }
0xa: {  	v0 =	vmul.u32 $0x80, v0;
	_ =	strace $0x80000047;
	s10 =	sshrl.u32 s8, $0x1;
	s9 =	sshll.u32 s7, $0xB  }
0xb: {  	s7 =	sshll.u32 s7, $0x4;
	s8 =	ssub.s32 s8, s10;
	s4 =	sadd.s32 s4, s9  }
0xc: {  	v1 =	vor.u32 $0x800, v0;
	s5 =	sadd.s32 s5, s9;
	s6 =	sadd.s32 s6, s7;
	s9 =	simm.s32 $0x8000  }
0xd: {  	v2 =	vor.u32 $0x1000, v0;
	v3 =	vor.u32 $0x1800, v0;
	v4 =	vor.u32 $0x2000, v0;
	s10 =	simm.s32 $0x1;
	s7 =	smax.u32 s8, $0x1;
	s8 =	simm.s32 $0x4000  }
.LBB2_1:
0xe: {  	[tilespmem:s2], [sflag:$0x1] =	stream.linear.gather [hbm4b:s4+s2], $0x4000, $0x38;
	[tilespmem:$0x8100] =	vst v63  }
0xf: {  	_ = 	snop  }
0x10: {  	[tilespmem:s8], [sflag:$0x2] =	stream.linear.gather [hbm4b:s5+s2], $0x4000, $0x38;
	[tilespmem:$0x8100] =	vst v63  }
0x11: {  	_ = 	snop  }
0x12: {  	[tilespmem:s9], [sflag:$0x3] =	stream.linear.gather [hbm4b:s3+s2], $0x80, $0x38;
	[tilespmem:$0x8100] =	vst v63  }
0x13: {  	v5 =	vmov s2;
	_ =	swait.ge [sflag:s10], $0x4000  }
0x14: {  	v5 =	vand.u32 $0x7C, v5;
	[sflag:s10] =	ssyncset.done $0x0  }
0x15: {  	v5 =	vbroadcast v5, $0x0;
	[sflag:s10] =	ssyncadd.s32 $0xFFFFC000  }
0x16: {  	s16 =	simm.s32 $0x3;
	s23 =	simm.s32 $0x2;
	_ =	swait.ge [sflag:s11], $0x4000  }
0x17: {  	s24 =	simm.s32 $0x1;
	v6 =	vor.u32 s16, v0;
	v8 =	vor.u32 v0, v5;
	v5 =	vmov s23;
	[sflag:s11] =	ssyncset.done $0x0  }
0x18: {  	v7 =	vmov s24;
	v5 =	vand.u32 $0x7E, v5;
	[sflag:s11] =	ssyncadd.s32 $0xFFFFC000  }
0x19: {  	v7 =	vand.u32 $0x7D, v7;
	v5 =	vbroadcast v5, $0x0;
	_ =	swait.ge [sflag:s12], $0x80  }
0x1a: {  	v7 =	vbroadcast v7, $0x0;
	[sflag:s12] =	ssyncset.done $0x0  }
0x1b: {  	v11 =	vor.u32 v0, v5;
	[sflag:s12] =	ssyncadd.s32 $0xFFFFFF80  }
0x1c: {  	v14 =	vor.u32 v0, v7;
	v9 =	vld.idx.msk [tilespmem:v6+s2+$0x0], $0xffff;
	_ =	sdelay $0x1  }
0x1d: {  	v12 =	vld.idx.msk [tilespmem:v8+s2+$0x0], $0xffff  }
0x1e: {  	s25 =	simm.s32 $0x4  }
0x1f: {  	v5 =	vmov s25;
	v16 =	vld.idx.msk [tilespmem:v11+s2+$0x0], $0xffff  }
0x20: {  	s17 =	simm.s32 $0x7;
	v5 =	vand.u32 $0x7C, v5;
	v18 =	vld.idx.msk [tilespmem:v14+s2+$0x0], $0xffff;
	v7 =	vtrunc.f32 v9  }
0x21: {  	v17 =	vor.u32 s17, v0;
	v5 =	vbroadcast v5, $0x0;
	v19 =	vld.idx.msk [tilespmem:v6+s8+$0x0], $0xffff;
	v13 =	vcvt.f32.s32 v7  }
0x22: {  	v22 =	vld.idx.msk [tilespmem:v8+s8+$0x0], $0xffff;
	v15 =	vtrunc.f32 v12  }
0x23: {  	s26 =	simm.s32 $0x6;
	v7 =	vor.u32 v0, v5;
	v15 =	vcvt.f32.s32 v15  }
0x24: {  	s29 =	simm.s32 $0x8;
	v10 =	vmov s26;
	v26 =	vld.idx.msk [tilespmem:v14+s8+$0x0], $0xffff  }
0x25: {  	v24 =	vmov s29;
	v20 =	vtrunc.f32 v16;
	v5 =	vand.u32 $0x7E, v10  }
0x26: {  	s28 =	simm.s32 $0x5;
	s30 =	simm.s32 $0xB;
	v23 =	vtrunc.f32 v18;
	v19 =	vsub.f32 v9, v19;
	v10 =	vld.idx.msk [tilespmem:v17+s2+$0x0], $0xffff;
	v6 =	vbroadcast v5, $0x0  }
0x27: {  	v9 =	vor.u32 s30, v0;
	v12 =	vsub.f32 v12, v22;
	v21 =	vld.idx.msk [tilespmem:v13+s9+$0x0], $0xffff;
	v13 =	vmov s28  }
0x28: {  	v20 =	vcvt.f32.s32 v20;
	v6 =	vor.u32 v0, v6;
	v8 =	vld.idx.msk [tilespmem:v7+s2+$0x0], $0xffff;
	v13 =	vand.u32 $0x7D, v13  }
0x29: {  	v18 =	vsub.f32 v18, v26;
	v23 =	vcvt.f32.s32 v23;
	v25 =	vld.idx.msk [tilespmem:v15+s9+$0x0], $0xffff;
	v13 =	vbroadcast v13, $0x0  }
0x2a: {  	v5 =	vimm.f32 $0.0e+00;
	v12 =	vand.u32 $0x7FFFFFFF, v12;
	v15 =	vand.u32 $0x7C, v24;
	v24 =	vld.idx.msk [tilespmem:v11+s8+$0x0], $0xffff  }
0x2b: {  	s31 =	simm.s32 $0xA;
	v11 =	vand.u32 $0x7FFFFFFF, v19;
	v19 =	vtrunc.f32 v10;
	v13 =	vor.u32 v0, v13  }
0x2c: {  	v15 =	vbroadcast v15, $0x0;
	v27 =	vcvt.f32.s32 v19;
	v19 =	vmov s31  }
0x2d: {  	v18 =	vand.u32 $0x7FFFFFFF, v18;
	vm0 =	vle.f32 v11, $5.000000000e+00;
	v14 =	vld.idx.msk [tilespmem:v6+s2+$0x0], $0xffff;
	v19 =	vand.u32 $0x7E, v19  }
0x2e: {  	v28 =	vld.idx.msk [tilespmem:v20+s9+$0x0], $0xffff;
	v15 =	vor.u32 v0, v15;
	v20 =	vtrunc.f32 v8;
	v11 =	vnsel vm0, $0xFF800000, v21  }
0x2f: {  	v23 =	vld.idx.msk [tilespmem:v23+s9+$0x0], $0xffff;
	v21 =	vbroadcast v19, $0x0;
	vm0 =	vle.f32 v12, $5.000000000e+00;
	v29 =	vsub.f32 v16, v24  }
0x30: {  	v24 =	vcvt.f32.s32 v20;
	v11 =	vadd.f32 v11, v5;
	v12 =	vnsel vm0, $0xFF800000, v25;
	v19 =	vld.idx.msk [tilespmem:v13+s2+$0x0], $0xffff  }
0x31: {  	v22 =	vld.idx.msk [tilespmem:v17+s8+$0x0], $0xffff;
	vm0 =	vle.f32 v18, $5.000000000e+00;
	v18 =	vimm.f32 $0.0e+00;
	v20 =	vand.u32 $0x7FFFFFFF, v29  }
0x32: {  	v17 =	vld.idx.msk [tilespmem:v9+s2+$0x0], $0xffff;
	v16 =	vor.u32 v0, v21;
	v21 =	vtrunc.f32 v14;
	vm1 =	vle.f32 v20, $5.000000000e+00  }
0x33: {  	s17 =	simm.s32 $0x9;
	s16 =	simm.s32 $0xC;
	v12 =	vadd.f32 v12, v5;
	v21 =	vcvt.f32.s32 v21;
	v20 =	vld.idx.msk [tilespmem:v27+s9+$0x0], $0xffff;
	v25 =	vnsel vm1, $0xFF800000, v28  }
.LBB2_2:
0x34: {  	p0 =	sne.s32 s16, $0x7C;
	v26 =	vmov s17;
	v27 =	vld.idx.msk [tilespmem:v7+s8+$0x0], $0xffff;
	v23 =	vnsel vm0, $0xFF800000, v23;
	v5 =	vadd.f32 v25, v5;
	v7 =	vmovc v15  }
0x35: {  	v28 =	vmovc v19;
	v25 =	vld.idx.msk [tilespmem:v15+s2+$0x0], $0xffff;
	v15 =	vand.u32 $0x7D, v26;
	v26 =	vtrunc.f32 v19;
	v18 =	vadd.f32 v23, v18  }
0x36: {  	s17 =	sadd.s32 $0x3, s16;
	v23 =	vsub.f32 v10, v22;
	v15 =	vbroadcast v15, $0x0;
	v29 =	vld.idx.msk [tilespmem:v24+s9+$0x0], $0xffff;
	v19 =	vcvt.f32.s32 v26  }
0x37: {  	v22 =	vmov s16;
	v26 =	vor.u32 s17, v0;
	v24 =	vld.idx.msk [tilespmem:v6+s8+$0x0], $0xffff;
	v6 =	vmov v16  }
0x38: {  	v22 =	vand.u32 $0x7C, v22;
	v10 =	vmovc v17;
	v30 =	vld.idx.msk [tilespmem:v13+s8+$0x0], $0xffff;
	v13 =	vor.u32 v0, v15;
	v15 =	vand.u32 $0x7FFFFFFF, v23  }
0x39: {  	v17 =	vbroadcast v22, $0x0;
	v22 =	vtrunc.f32 v10;
	vm0 =	vle.f32 v15, $5.000000000e+00  }
0x3a: {  	s17 =	sadd.s32 $0x2, s16;
	v32 =	vcvt.f32.s32 v22;
	v31 =	vld.idx.msk [tilespmem:v16+s2+$0x0], $0xffff;
	v16 =	vsub.f32 v8, v27;
	v20 =	vnsel vm0, $0xFF800000, v20  }
0x3b: {  	v15 =	vor.u32 v0, v17;
	v17 =	vmov s17;
	v8 =	vmovc v25;
	v27 =	vld.idx.msk [tilespmem:v21+s9+$0x0], $0xffff;
	v11 =	vadd.f32 v20, v11  }
0x3c: {  	v17 =	vand.u32 $0x7E, v17;
	v20 =	vtrunc.f32 v8;
	v16 =	vand.u32 $0x7FFFFFFF, v16;
	v23 =	vld.idx.msk [tilespmem:v19+s9+$0x0], $0xffff  }
.Ltmp0:
0x3d: {  	v17 =	vbroadcast v17, $0x0;
	v33 =	vsub.f32 v14, v24;
	v19 =	vld.idx.msk [tilespmem:v13+s2+$0x0], $0xffff;
	vm0 =	vle.f32 v16, $5.000000000e+00;
	(pc) =	sbr.rel @p0 .LBB2_2-.Ltmp0, $4  }
0x3e: {  	v24 =	vcvt.f32.s32 v20;
	v21 =	vsub.f32 v28, v30;
	v22 =	vld.idx.msk [tilespmem:v9+s8+$0x0], $0xffff;
	v20 =	vnsel vm0, $0xFF800000, v29;
	v9 =	vmovc v26  }
0x3f: {  	v16 =	vor.u32 v0, v17;
	v28 =	vand.u32 $0x7FFFFFFF, v33;
	v12 =	vadd.f32 v20, v12  }
0x40: {  	v20 =	vtrunc.f32 v31;
	v25 =	vand.u32 $0x7FFFFFFF, v21;
	vm1 =	vle.f32 v28, $5.000000000e+00;
	v14 =	vmovc v31;
	v17 =	vld.idx.msk [tilespmem:v26+s2+$0x0], $0xffff  }
0x41: {  	s17 =	sadd.s32 $0x1, s16;
	s16 =	sadd.s32 $0x4, s16;
	v21 =	vcvt.f32.s32 v20;
	vm0 =	vle.f32 v25, $5.000000000e+00;
	v25 =	vnsel vm1, $0xFF800000, v27;
	v20 =	vld.idx.msk [tilespmem:v32+s9+$0x0], $0xffff  }
0x42: {  	v26 =	vmov s17  }
0x43: {  	v26 =	vand.u32 $0x7D, v26  }
0x44: {  	v26 =	vbroadcast v26, $0x0;
	_ =	sdelay $0x1  }
0x45: {  	v26 =	vor.u32 v0, v26  }
0x46: {  	v7 =	vld.idx.msk [tilespmem:v7+s8+$0x0], $0xffff  }
0x47: {  	v27 =	vld.idx.msk [tilespmem:v15+s2+$0x0], $0xffff  }
0x48: {  	v24 =	vld.idx.msk [tilespmem:v24+s9+$0x0], $0xffff  }
0x49: {  	v28 =	vtrunc.f32 v19;
	v30 =	vld.idx.msk [tilespmem:v16+s2+$0x0], $0xffff  }
0x4a: {  	v28 =	vcvt.f32.s32 v28;
	v29 =	vld.idx.msk [tilespmem:v26+s2+$0x0], $0xffff  }
0x4b: {  	v6 =	vld.idx.msk [tilespmem:v6+s8+$0x0], $0xffff;
	v10 =	vsub.f32 v10, v22  }
0x4c: {  	v23 =	vnsel vm0, $0xFF800000, v23;
	v13 =	vld.idx.msk [tilespmem:v13+s8+$0x0], $0xffff  }
0x4d: {  	v18 =	vadd.f32 v23, v18;
	v21 =	vld.idx.msk [tilespmem:v21+s9+$0x0], $0xffff;
	v22 =	vtrunc.f32 v17;
	v10 =	vand.u32 $0x7FFFFFFF, v10  }
0x4e: {  	v22 =	vcvt.f32.s32 v22;
	vm0 =	vle.f32 v10, $5.000000000e+00;
	v10 =	vld.idx.msk [tilespmem:v15+s8+$0x0], $0xffff;
	v23 =	vtrunc.f32 v27  }
0x4f: {  	v7 =	vsub.f32 v8, v7;
	v8 =	vld.idx.msk [tilespmem:v9+s8+$0x0], $0xffff;
	v23 =	vcvt.f32.s32 v23;
	v61 =	vtrunc.f32 v29  }
0x50: {  	v5 =	vadd.f32 v25, v5;
	v9 =	vtrunc.f32 v30;
	v25 =	vld.idx.msk [tilespmem:v28+s9+$0x0], $0xffff;
	v28 =	vcvt.f32.s32 v61  }
0x51: {  	v6 =	vsub.f32 v14, v6;
	v13 =	vsub.f32 v19, v13;
	v14 =	vnsel vm0, $0xFF800000, v20  }
0x52: {  	v9 =	vcvt.f32.s32 v9;
	v11 =	vadd.f32 v14, v11;
	v7 =	vand.u32 $0x7FFFFFFF, v7;
	v15 =	vld.idx.msk [tilespmem:v26+s8+$0x0], $0xffff  }
0x53: {  	v6 =	vand.u32 $0x7FFFFFFF, v6;
	v13 =	vand.u32 $0x7FFFFFFF, v13;
	vm0 =	vle.f32 v7, $5.000000000e+00;
	v7 =	vld.idx.msk [tilespmem:v16+s8+$0x0], $0xffff  }
0x54: {  	vm1 =	vle.f32 v13, $5.000000000e+00;
	v14 =	vnsel vm0, $0xFF800000, v24;
	vm0 =	vle.f32 v6, $5.000000000e+00;
	v6 =	vld.idx.msk [tilespmem:v22+s9+$0x0], $0xffff  }
0x55: {  	v10 =	vsub.f32 v27, v10;
	v13 =	vnsel vm0, $0xFF800000, v21;
	v8 =	vsub.f32 v17, v8;
	v16 =	vld.idx.msk [tilespmem:v23+s9+$0x0], $0xffff  }
0x56: {  	v12 =	vadd.f32 v14, v12;
	v5 =	vadd.f32 v13, v5;
	v13 =	vld.idx.msk [tilespmem:v28+s9+$0x0], $0xffff  }
0x57: {  	v14 =	vnsel vm1, $0xFF800000, v25;
	v8 =	vand.u32 $0x7FFFFFFF, v8;
	v15 =	vsub.f32 v29, v15  }
0x58: {  	v9 =	vld.idx.msk [tilespmem:v9+s9+$0x0], $0xffff;
	v14 =	vadd.f32 v14, v18;
	vm0 =	vle.f32 v8, $5.000000000e+00;
	v7 =	vsub.f32 v30, v7  }
0x59: {  	v8 =	vand.u32 $0x7FFFFFFF, v10;
	v6 =	vnsel vm0, $0xFF800000, v6;
	v10 =	vand.u32 $0x7FFFFFFF, v15  }
0x5a: {  	vm0 =	vle.f32 v8, $5.000000000e+00;
	v7 =	vand.u32 $0x7FFFFFFF, v7;
	vm1 =	vle.f32 v10, $5.000000000e+00  }
0x5b: {  	v8 =	vnsel vm0, $0xFF800000, v16;
	vm0 =	vle.f32 v7, $5.000000000e+00;
	v7 =	vnsel vm1, $0xFF800000, v13  }
0x5c: {  	v8 =	vadd.f32 v8, v12;
	v7 =	vadd.f32 v7, v14  }
0x5d: {  	s16 =	simm.s32 $0x0;
	v6 =	vadd.f32 v6, v11;
	v9 =	vnsel vm0, $0xFF800000, v9  }
0x5e: {  	v5 =	vadd.f32 v9, v5;
	v7 =	vadd.f32 v7, v8;
	v8 =	vmov s16  }
0x5f: {  	s21 =	simm.s32 $0x3;
	v8 =	vand.u32 $0x7C, v8  }
0x60: {  	v5 =	vadd.f32 v6, v5;
	v6 =	vor.u32 s21, v1;
	v8 =	vbroadcast v8, $0x0;
	_ =	sdelay $0x1  }
0x61: {  	s22 =	simm.s32 $0x2;
	v5 =	vadd.f32 v5, v7;
	v8 =	vor.u32 v1, v8  }
0x62: {  	s23 =	simm.s32 $0x1;
	v7 =	vmov s22  }
0x63: {  	[tilespmem:$0x8080] =	vst v5;
	v5 =	vand.u32 $0x7E, v7;
	v7 =	vmov s23  }
0x64: {  	v5 =	vbroadcast v5, $0x0;
	v9 =	vld.idx.msk [tilespmem:v6+s2+$0x0], $0xffff;
	v7 =	vand.u32 $0x7D, v7  }
0x65: {  	v7 =	vbroadcast v7, $0x0  }
0x66: {  	v11 =	vor.u32 v1, v5;
	v12 =	vld.idx.msk [tilespmem:v8+s2+$0x0], $0xffff  }
0x67: {  	s24 =	simm.s32 $0x4;
	v14 =	vor.u32 v1, v7  }
0x68: {  	v5 =	vmov s24  }
0x69: {  	s25 =	simm.s32 $0x7;
	v19 =	vld.idx.msk [tilespmem:v6+s8+$0x0], $0xffff;
	v5 =	vand.u32 $0x7C, v5;
	v7 =	vtrunc.f32 v9  }
0x6a: {  	s26 =	simm.s32 $0x6;
	v17 =	vor.u32 s25, v1;
	v5 =	vbroadcast v5, $0x0;
	v22 =	vld.idx.msk [tilespmem:v8+s8+$0x0], $0xffff;
	v13 =	vcvt.f32.s32 v7  }
0x6b: {  	v10 =	vmov s26;
	v16 =	vld.idx.msk [tilespmem:v11+s2+$0x0], $0xffff;
	v15 =	vtrunc.f32 v12  }
0x6c: {  	v7 =	vor.u32 v1, v5;
	v5 =	vand.u32 $0x7E, v10;
	v18 =	vld.idx.msk [tilespmem:v14+s2+$0x0], $0xffff;
	v15 =	vcvt.f32.s32 v15  }
0x6d: {  	s29 =	simm.s32 $0x8;
	v6 =	vbroadcast v5, $0x0;
	v26 =	vld.idx.msk [tilespmem:v14+s8+$0x0], $0xffff  }
0x6e: {  	s30 =	simm.s32 $0xB;
	v24 =	vmov s29  }
0x6f: {  	s28 =	simm.s32 $0x5;
	v19 =	vsub.f32 v9, v19;
	v9 =	vor.u32 s30, v1;
	v10 =	vld.idx.msk [tilespmem:v17+s2+$0x0], $0xffff;
	v6 =	vor.u32 v1, v6  }
0x70: {  	v12 =	vsub.f32 v12, v22;
	v20 =	vtrunc.f32 v16;
	v21 =	vld.idx.msk [tilespmem:v13+s9+$0x0], $0xffff;
	v13 =	vmov s28  }
0x71: {  	v8 =	vld.idx.msk [tilespmem:v7+s2+$0x0], $0xffff;
	v20 =	vcvt.f32.s32 v20;
	v13 =	vand.u32 $0x7D, v13;
	v23 =	vtrunc.f32 v18  }
0x72: {  	v18 =	vsub.f32 v18, v26;
	v13 =	vbroadcast v13, $0x0;
	v23 =	vcvt.f32.s32 v23;
	v25 =	vld.idx.msk [tilespmem:v15+s9+$0x0], $0xffff  }
0x73: {  	v5 =	vimm.f32 $0.0e+00;
	v12 =	vand.u32 $0x7FFFFFFF, v12;
	v15 =	vand.u32 $0x7C, v24;
	v24 =	vld.idx.msk [tilespmem:v11+s8+$0x0], $0xffff  }
0x74: {  	v18 =	vand.u32 $0x7FFFFFFF, v18;
	v13 =	vor.u32 v1, v13;
	v11 =	vand.u32 $0x7FFFFFFF, v19  }
0x75: {  	s31 =	simm.s32 $0xA;
	v14 =	vld.idx.msk [tilespmem:v6+s2+$0x0], $0xffff;
	v19 =	vtrunc.f32 v10;
	v15 =	vbroadcast v15, $0x0;
	vm0 =	vle.f32 v11, $5.000000000e+00  }
0x76: {  	v27 =	vcvt.f32.s32 v19;
	v19 =	vmov s31;
	v11 =	vnsel vm0, $0xFF800000, v21  }
0x77: {  	v19 =	vand.u32 $0x7E, v19;
	vm0 =	vle.f32 v12, $5.000000000e+00;
	v15 =	vor.u32 v1, v15;
	v62 =	vld.idx.msk [tilespmem:v20+s9+$0x0], $0xffff  }
0x78: {  	v20 =	vtrunc.f32 v8;
	v21 =	vbroadcast v19, $0x0;
	v23 =	vld.idx.msk [tilespmem:v23+s9+$0x0], $0xffff;
	v63 =	vsub.f32 v16, v24  }
0x79: {  	v11 =	vadd.f32 v11, v5;
	v24 =	vcvt.f32.s32 v20;
	v19 =	vld.idx.msk [tilespmem:v13+s2+$0x0], $0xffff;
	v12 =	vnsel vm0, $0xFF800000, v25  }
0x7a: {  	v22 =	vld.idx.msk [tilespmem:v17+s8+$0x0], $0xffff;
	v16 =	vor.u32 v1, v21;
	v21 =	vtrunc.f32 v14;
	v20 =	vand.u32 $0x7FFFFFFF, v63  }
0x7b: {  	v17 =	vld.idx.msk [tilespmem:v9+s2+$0x0], $0xffff;
	vm0 =	vle.f32 v18, $5.000000000e+00;
	v18 =	vimm.f32 $0.0e+00;
	vm1 =	vle.f32 v20, $5.000000000e+00  }
0x7c: {  	s17 =	simm.s32 $0x9;
	s16 =	simm.s32 $0xC;
	v12 =	vadd.f32 v12, v5;
	v21 =	vcvt.f32.s32 v21;
	v20 =	vld.idx.msk [tilespmem:v27+s9+$0x0], $0xffff;
	v25 =	vnsel vm1, $0xFF800000, v62  }
.LBB2_4:
0x7d: {  	p0 =	sne.s32 s16, $0x7C;
	v26 =	vmov s17;
	v27 =	vld.idx.msk [tilespmem:v7+s8+$0x0], $0xffff;
	v23 =	vnsel vm0, $0xFF800000, v23;
	v5 =	vadd.f32 v25, v5;
	v7 =	vmovc v15  }
0x7e: {  	v28 =	vmovc v19;
	v25 =	vld.idx.msk [tilespmem:v15+s2+$0x0], $0xffff;
	v15 =	vand.u32 $0x7D, v26;
	v26 =	vtrunc.f32 v19;
	v18 =	vadd.f32 v23, v18  }
0x7f: {  	s17 =	sadd.s32 $0x3, s16;
	v23 =	vsub.f32 v10, v22;
	v15 =	vbroadcast v15, $0x0;
	v29 =	vld.idx.msk [tilespmem:v24+s9+$0x0], $0xffff;
	v19 =	vcvt.f32.s32 v26  }
0x80: {  	v22 =	vmov s16;
	v26 =	vor.u32 s17, v1;
	v24 =	vld.idx.msk [tilespmem:v6+s8+$0x0], $0xffff;
	v6 =	vmov v16  }
0x81: {  	v22 =	vand.u32 $0x7C, v22;
	v10 =	vmovc v17;
	v30 =	vld.idx.msk [tilespmem:v13+s8+$0x0], $0xffff;
	v13 =	vor.u32 v1, v15;
	v15 =	vand.u32 $0x7FFFFFFF, v23  }
0x82: {  	v17 =	vbroadcast v22, $0x0;
	v22 =	vtrunc.f32 v10;
	vm0 =	vle.f32 v15, $5.000000000e+00  }
0x83: {  	s17 =	sadd.s32 $0x2, s16;
	v32 =	vcvt.f32.s32 v22;
	v31 =	vld.idx.msk [tilespmem:v16+s2+$0x0], $0xffff;
	v16 =	vsub.f32 v8, v27;
	v20 =	vnsel vm0, $0xFF800000, v20  }
0x84: {  	v15 =	vor.u32 v1, v17;
	v17 =	vmov s17;
	v8 =	vmovc v25;
	v27 =	vld.idx.msk [tilespmem:v21+s9+$0x0], $0xffff;
	v11 =	vadd.f32 v20, v11  }
0x85: {  	v17 =	vand.u32 $0x7E, v17;
	v20 =	vtrunc.f32 v8;
	v16 =	vand.u32 $0x7FFFFFFF, v16;
	v23 =	vld.idx.msk [tilespmem:v19+s9+$0x0], $0xffff  }
.Ltmp1:
0x86: {  	v17 =	vbroadcast v17, $0x0;
	v33 =	vsub.f32 v14, v24;
	v19 =	vld.idx.msk [tilespmem:v13+s2+$0x0], $0xffff;
	vm0 =	vle.f32 v16, $5.000000000e+00;
	(pc) =	sbr.rel @p0 .LBB2_4-.Ltmp1, $4  }
0x87: {  	v24 =	vcvt.f32.s32 v20;
	v21 =	vsub.f32 v28, v30;
	v22 =	vld.idx.msk [tilespmem:v9+s8+$0x0], $0xffff;
	v20 =	vnsel vm0, $0xFF800000, v29;
	v9 =	vmovc v26  }
0x88: {  	v16 =	vor.u32 v1, v17;
	v28 =	vand.u32 $0x7FFFFFFF, v33;
	v12 =	vadd.f32 v20, v12  }
0x89: {  	v20 =	vtrunc.f32 v31;
	v25 =	vand.u32 $0x7FFFFFFF, v21;
	vm1 =	vle.f32 v28, $5.000000000e+00;
	v14 =	vmovc v31;
	v17 =	vld.idx.msk [tilespmem:v26+s2+$0x0], $0xffff  }
0x8a: {  	s17 =	sadd.s32 $0x1, s16;
	s16 =	sadd.s32 $0x4, s16;
	v21 =	vcvt.f32.s32 v20;
	vm0 =	vle.f32 v25, $5.000000000e+00;
	v25 =	vnsel vm1, $0xFF800000, v27;
	v20 =	vld.idx.msk [tilespmem:v32+s9+$0x0], $0xffff  }
0x8b: {  	v26 =	vmov s17  }
0x8c: {  	v26 =	vand.u32 $0x7D, v26  }
0x8d: {  	v26 =	vbroadcast v26, $0x0;
	_ =	sdelay $0x1  }
0x8e: {  	v26 =	vor.u32 v1, v26  }
0x8f: {  	v7 =	vld.idx.msk [tilespmem:v7+s8+$0x0], $0xffff  }
0x90: {  	v27 =	vld.idx.msk [tilespmem:v15+s2+$0x0], $0xffff  }
0x91: {  	v24 =	vld.idx.msk [tilespmem:v24+s9+$0x0], $0xffff  }
0x92: {  	v28 =	vtrunc.f32 v19;
	v30 =	vld.idx.msk [tilespmem:v16+s2+$0x0], $0xffff  }
0x93: {  	v28 =	vcvt.f32.s32 v28;
	v29 =	vld.idx.msk [tilespmem:v26+s2+$0x0], $0xffff  }
0x94: {  	v6 =	vld.idx.msk [tilespmem:v6+s8+$0x0], $0xffff;
	v10 =	vsub.f32 v10, v22  }
0x95: {  	v23 =	vnsel vm0, $0xFF800000, v23;
	v13 =	vld.idx.msk [tilespmem:v13+s8+$0x0], $0xffff  }
0x96: {  	v18 =	vadd.f32 v23, v18;
	v21 =	vld.idx.msk [tilespmem:v21+s9+$0x0], $0xffff;
	v22 =	vtrunc.f32 v17;
	v10 =	vand.u32 $0x7FFFFFFF, v10  }
0x97: {  	v22 =	vcvt.f32.s32 v22;
	vm0 =	vle.f32 v10, $5.000000000e+00;
	v10 =	vld.idx.msk [tilespmem:v15+s8+$0x0], $0xffff;
	v23 =	vtrunc.f32 v27  }
0x98: {  	v7 =	vsub.f32 v8, v7;
	v8 =	vld.idx.msk [tilespmem:v9+s8+$0x0], $0xffff;
	v23 =	vcvt.f32.s32 v23;
	v61 =	vtrunc.f32 v29  }
0x99: {  	v5 =	vadd.f32 v25, v5;
	v9 =	vtrunc.f32 v30;
	v25 =	vld.idx.msk [tilespmem:v28+s9+$0x0], $0xffff;
	v28 =	vcvt.f32.s32 v61  }
0x9a: {  	v6 =	vsub.f32 v14, v6;
	v13 =	vsub.f32 v19, v13;
	v14 =	vnsel vm0, $0xFF800000, v20  }
0x9b: {  	v9 =	vcvt.f32.s32 v9;
	v11 =	vadd.f32 v14, v11;
	v7 =	vand.u32 $0x7FFFFFFF, v7;
	v15 =	vld.idx.msk [tilespmem:v26+s8+$0x0], $0xffff  }
0x9c: {  	v6 =	vand.u32 $0x7FFFFFFF, v6;
	v13 =	vand.u32 $0x7FFFFFFF, v13;
	vm0 =	vle.f32 v7, $5.000000000e+00;
	v7 =	vld.idx.msk [tilespmem:v16+s8+$0x0], $0xffff  }
0x9d: {  	vm1 =	vle.f32 v13, $5.000000000e+00;
	v14 =	vnsel vm0, $0xFF800000, v24;
	vm0 =	vle.f32 v6, $5.000000000e+00;
	v6 =	vld.idx.msk [tilespmem:v22+s9+$0x0], $0xffff  }
0x9e: {  	v10 =	vsub.f32 v27, v10;
	v13 =	vnsel vm0, $0xFF800000, v21;
	v8 =	vsub.f32 v17, v8;
	v16 =	vld.idx.msk [tilespmem:v23+s9+$0x0], $0xffff  }
0x9f: {  	v12 =	vadd.f32 v14, v12;
	v5 =	vadd.f32 v13, v5;
	v13 =	vld.idx.msk [tilespmem:v28+s9+$0x0], $0xffff  }
0xa0: {  	v14 =	vnsel vm1, $0xFF800000, v25;
	v8 =	vand.u32 $0x7FFFFFFF, v8;
	v15 =	vsub.f32 v29, v15  }
0xa1: {  	v9 =	vld.idx.msk [tilespmem:v9+s9+$0x0], $0xffff;
	v14 =	vadd.f32 v14, v18;
	vm0 =	vle.f32 v8, $5.000000000e+00;
	v7 =	vsub.f32 v30, v7  }
0xa2: {  	v8 =	vand.u32 $0x7FFFFFFF, v10;
	v6 =	vnsel vm0, $0xFF800000, v6;
	v10 =	vand.u32 $0x7FFFFFFF, v15  }
0xa3: {  	vm0 =	vle.f32 v8, $5.000000000e+00;
	v7 =	vand.u32 $0x7FFFFFFF, v7;
	vm1 =	vle.f32 v10, $5.000000000e+00  }
0xa4: {  	v8 =	vnsel vm0, $0xFF800000, v16;
	vm0 =	vle.f32 v7, $5.000000000e+00;
	v7 =	vnsel vm1, $0xFF800000, v13  }
0xa5: {  	v8 =	vadd.f32 v8, v12;
	v7 =	vadd.f32 v7, v14  }
0xa6: {  	s16 =	simm.s32 $0x0;
	v6 =	vadd.f32 v6, v11;
	v9 =	vnsel vm0, $0xFF800000, v9  }
0xa7: {  	v5 =	vadd.f32 v9, v5;
	v7 =	vadd.f32 v7, v8;
	v8 =	vmov s16  }
0xa8: {  	s21 =	simm.s32 $0x3;
	v8 =	vand.u32 $0x7C, v8  }
0xa9: {  	v5 =	vadd.f32 v6, v5;
	v6 =	vor.u32 s21, v2;
	v8 =	vbroadcast v8, $0x0;
	_ =	sdelay $0x1  }
0xaa: {  	s22 =	simm.s32 $0x2;
	v5 =	vadd.f32 v5, v7;
	v8 =	vor.u32 v2, v8  }
0xab: {  	s23 =	simm.s32 $0x1;
	v7 =	vmov s22  }
0xac: {  	[tilespmem:$0x8090] =	vst v5;
	v5 =	vand.u32 $0x7E, v7;
	v7 =	vmov s23  }
0xad: {  	v5 =	vbroadcast v5, $0x0;
	v9 =	vld.idx.msk [tilespmem:v6+s2+$0x0], $0xffff;
	v7 =	vand.u32 $0x7D, v7  }
0xae: {  	v7 =	vbroadcast v7, $0x0  }
0xaf: {  	v11 =	vor.u32 v2, v5;
	v12 =	vld.idx.msk [tilespmem:v8+s2+$0x0], $0xffff  }
0xb0: {  	s24 =	simm.s32 $0x4;
	v14 =	vor.u32 v2, v7  }
0xb1: {  	v5 =	vmov s24  }
0xb2: {  	s25 =	simm.s32 $0x7;
	v19 =	vld.idx.msk [tilespmem:v6+s8+$0x0], $0xffff;
	v5 =	vand.u32 $0x7C, v5;
	v7 =	vtrunc.f32 v9  }
0xb3: {  	s26 =	simm.s32 $0x6;
	v17 =	vor.u32 s25, v2;
	v5 =	vbroadcast v5, $0x0;
	v22 =	vld.idx.msk [tilespmem:v8+s8+$0x0], $0xffff;
	v13 =	vcvt.f32.s32 v7  }
0xb4: {  	v10 =	vmov s26;
	v16 =	vld.idx.msk [tilespmem:v11+s2+$0x0], $0xffff;
	v15 =	vtrunc.f32 v12  }
0xb5: {  	v7 =	vor.u32 v2, v5;
	v5 =	vand.u32 $0x7E, v10;
	v18 =	vld.idx.msk [tilespmem:v14+s2+$0x0], $0xffff;
	v15 =	vcvt.f32.s32 v15  }
0xb6: {  	s29 =	simm.s32 $0x8;
	v6 =	vbroadcast v5, $0x0;
	v26 =	vld.idx.msk [tilespmem:v14+s8+$0x0], $0xffff  }
0xb7: {  	s30 =	simm.s32 $0xB;
	v24 =	vmov s29  }
0xb8: {  	s28 =	simm.s32 $0x5;
	v19 =	vsub.f32 v9, v19;
	v9 =	vor.u32 s30, v2;
	v10 =	vld.idx.msk [tilespmem:v17+s2+$0x0], $0xffff;
	v6 =	vor.u32 v2, v6  }
0xb9: {  	v12 =	vsub.f32 v12, v22;
	v20 =	vtrunc.f32 v16;
	v21 =	vld.idx.msk [tilespmem:v13+s9+$0x0], $0xffff;
	v13 =	vmov s28  }
0xba: {  	v8 =	vld.idx.msk [tilespmem:v7+s2+$0x0], $0xffff;
	v20 =	vcvt.f32.s32 v20;
	v13 =	vand.u32 $0x7D, v13;
	v23 =	vtrunc.f32 v18  }
0xbb: {  	v18 =	vsub.f32 v18, v26;
	v13 =	vbroadcast v13, $0x0;
	v23 =	vcvt.f32.s32 v23;
	v25 =	vld.idx.msk [tilespmem:v15+s9+$0x0], $0xffff  }
0xbc: {  	v5 =	vimm.f32 $0.0e+00;
	v12 =	vand.u32 $0x7FFFFFFF, v12;
	v15 =	vand.u32 $0x7C, v24;
	v24 =	vld.idx.msk [tilespmem:v11+s8+$0x0], $0xffff  }
0xbd: {  	v18 =	vand.u32 $0x7FFFFFFF, v18;
	v13 =	vor.u32 v2, v13;
	v11 =	vand.u32 $0x7FFFFFFF, v19  }
0xbe: {  	s31 =	simm.s32 $0xA;
	v14 =	vld.idx.msk [tilespmem:v6+s2+$0x0], $0xffff;
	v19 =	vtrunc.f32 v10;
	v15 =	vbroadcast v15, $0x0;
	vm0 =	vle.f32 v11, $5.000000000e+00  }
0xbf: {  	v27 =	vcvt.f32.s32 v19;
	v19 =	vmov s31;
	v11 =	vnsel vm0, $0xFF800000, v21  }
0xc0: {  	v19 =	vand.u32 $0x7E, v19;
	vm0 =	vle.f32 v12, $5.000000000e+00;
	v15 =	vor.u32 v2, v15;
	v62 =	vld.idx.msk [tilespmem:v20+s9+$0x0], $0xffff  }
0xc1: {  	v20 =	vtrunc.f32 v8;
	v21 =	vbroadcast v19, $0x0;
	v23 =	vld.idx.msk [tilespmem:v23+s9+$0x0], $0xffff;
	v63 =	vsub.f32 v16, v24  }
0xc2: {  	v11 =	vadd.f32 v11, v5;
	v24 =	vcvt.f32.s32 v20;
	v19 =	vld.idx.msk [tilespmem:v13+s2+$0x0], $0xffff;
	v12 =	vnsel vm0, $0xFF800000, v25  }
0xc3: {  	v22 =	vld.idx.msk [tilespmem:v17+s8+$0x0], $0xffff;
	v16 =	vor.u32 v2, v21;
	v21 =	vtrunc.f32 v14;
	v20 =	vand.u32 $0x7FFFFFFF, v63  }
0xc4: {  	v17 =	vld.idx.msk [tilespmem:v9+s2+$0x0], $0xffff;
	vm0 =	vle.f32 v18, $5.000000000e+00;
	v18 =	vimm.f32 $0.0e+00;
	vm1 =	vle.f32 v20, $5.000000000e+00  }
0xc5: {  	s17 =	simm.s32 $0x9;
	s16 =	simm.s32 $0xC;
	v12 =	vadd.f32 v12, v5;
	v21 =	vcvt.f32.s32 v21;
	v20 =	vld.idx.msk [tilespmem:v27+s9+$0x0], $0xffff;
	v25 =	vnsel vm1, $0xFF800000, v62  }
.LBB2_6:
0xc6: {  	p0 =	sne.s32 s16, $0x7C;
	v26 =	vmov s17;
	v27 =	vld.idx.msk [tilespmem:v7+s8+$0x0], $0xffff;
	v23 =	vnsel vm0, $0xFF800000, v23;
	v5 =	vadd.f32 v25, v5;
	v7 =	vmovc v15  }
0xc7: {  	v28 =	vmovc v19;
	v25 =	vld.idx.msk [tilespmem:v15+s2+$0x0], $0xffff;
	v15 =	vand.u32 $0x7D, v26;
	v26 =	vtrunc.f32 v19;
	v18 =	vadd.f32 v23, v18  }
0xc8: {  	s17 =	sadd.s32 $0x3, s16;
	v23 =	vsub.f32 v10, v22;
	v15 =	vbroadcast v15, $0x0;
	v29 =	vld.idx.msk [tilespmem:v24+s9+$0x0], $0xffff;
	v19 =	vcvt.f32.s32 v26  }
0xc9: {  	v22 =	vmov s16;
	v26 =	vor.u32 s17, v2;
	v24 =	vld.idx.msk [tilespmem:v6+s8+$0x0], $0xffff;
	v6 =	vmov v16  }
0xca: {  	v22 =	vand.u32 $0x7C, v22;
	v10 =	vmovc v17;
	v30 =	vld.idx.msk [tilespmem:v13+s8+$0x0], $0xffff;
	v13 =	vor.u32 v2, v15;
	v15 =	vand.u32 $0x7FFFFFFF, v23  }
0xcb: {  	v17 =	vbroadcast v22, $0x0;
	v22 =	vtrunc.f32 v10;
	vm0 =	vle.f32 v15, $5.000000000e+00  }
0xcc: {  	s17 =	sadd.s32 $0x2, s16;
	v32 =	vcvt.f32.s32 v22;
	v31 =	vld.idx.msk [tilespmem:v16+s2+$0x0], $0xffff;
	v16 =	vsub.f32 v8, v27;
	v20 =	vnsel vm0, $0xFF800000, v20  }
0xcd: {  	v15 =	vor.u32 v2, v17;
	v17 =	vmov s17;
	v8 =	vmovc v25;
	v27 =	vld.idx.msk [tilespmem:v21+s9+$0x0], $0xffff;
	v11 =	vadd.f32 v20, v11  }
0xce: {  	v17 =	vand.u32 $0x7E, v17;
	v20 =	vtrunc.f32 v8;
	v16 =	vand.u32 $0x7FFFFFFF, v16;
	v23 =	vld.idx.msk [tilespmem:v19+s9+$0x0], $0xffff  }
.Ltmp2:
0xcf: {  	v17 =	vbroadcast v17, $0x0;
	v33 =	vsub.f32 v14, v24;
	v19 =	vld.idx.msk [tilespmem:v13+s2+$0x0], $0xffff;
	vm0 =	vle.f32 v16, $5.000000000e+00;
	(pc) =	sbr.rel @p0 .LBB2_6-.Ltmp2, $4  }
0xd0: {  	v24 =	vcvt.f32.s32 v20;
	v21 =	vsub.f32 v28, v30;
	v22 =	vld.idx.msk [tilespmem:v9+s8+$0x0], $0xffff;
	v20 =	vnsel vm0, $0xFF800000, v29;
	v9 =	vmovc v26  }
0xd1: {  	v16 =	vor.u32 v2, v17;
	v28 =	vand.u32 $0x7FFFFFFF, v33;
	v12 =	vadd.f32 v20, v12  }
0xd2: {  	v20 =	vtrunc.f32 v31;
	v25 =	vand.u32 $0x7FFFFFFF, v21;
	vm1 =	vle.f32 v28, $5.000000000e+00;
	v14 =	vmovc v31;
	v17 =	vld.idx.msk [tilespmem:v26+s2+$0x0], $0xffff  }
0xd3: {  	s17 =	sadd.s32 $0x1, s16;
	s16 =	sadd.s32 $0x4, s16;
	v21 =	vcvt.f32.s32 v20;
	vm0 =	vle.f32 v25, $5.000000000e+00;
	v25 =	vnsel vm1, $0xFF800000, v27;
	v20 =	vld.idx.msk [tilespmem:v32+s9+$0x0], $0xffff  }
0xd4: {  	v26 =	vmov s17  }
0xd5: {  	v26 =	vand.u32 $0x7D, v26  }
0xd6: {  	v26 =	vbroadcast v26, $0x0;
	_ =	sdelay $0x1  }
0xd7: {  	v26 =	vor.u32 v2, v26  }
0xd8: {  	v7 =	vld.idx.msk [tilespmem:v7+s8+$0x0], $0xffff  }
0xd9: {  	v27 =	vld.idx.msk [tilespmem:v15+s2+$0x0], $0xffff  }
0xda: {  	v24 =	vld.idx.msk [tilespmem:v24+s9+$0x0], $0xffff  }
0xdb: {  	v28 =	vtrunc.f32 v19;
	v30 =	vld.idx.msk [tilespmem:v16+s2+$0x0], $0xffff  }
0xdc: {  	v28 =	vcvt.f32.s32 v28;
	v29 =	vld.idx.msk [tilespmem:v26+s2+$0x0], $0xffff  }
0xdd: {  	v6 =	vld.idx.msk [tilespmem:v6+s8+$0x0], $0xffff;
	v10 =	vsub.f32 v10, v22  }
0xde: {  	v23 =	vnsel vm0, $0xFF800000, v23;
	v13 =	vld.idx.msk [tilespmem:v13+s8+$0x0], $0xffff  }
0xdf: {  	v18 =	vadd.f32 v23, v18;
	v21 =	vld.idx.msk [tilespmem:v21+s9+$0x0], $0xffff;
	v22 =	vtrunc.f32 v17;
	v10 =	vand.u32 $0x7FFFFFFF, v10  }
0xe0: {  	v22 =	vcvt.f32.s32 v22;
	vm0 =	vle.f32 v10, $5.000000000e+00;
	v10 =	vld.idx.msk [tilespmem:v15+s8+$0x0], $0xffff;
	v23 =	vtrunc.f32 v27  }
0xe1: {  	v7 =	vsub.f32 v8, v7;
	v8 =	vld.idx.msk [tilespmem:v9+s8+$0x0], $0xffff;
	v23 =	vcvt.f32.s32 v23;
	v61 =	vtrunc.f32 v29  }
0xe2: {  	v5 =	vadd.f32 v25, v5;
	v9 =	vtrunc.f32 v30;
	v25 =	vld.idx.msk [tilespmem:v28+s9+$0x0], $0xffff;
	v28 =	vcvt.f32.s32 v61  }
0xe3: {  	v6 =	vsub.f32 v14, v6;
	v13 =	vsub.f32 v19, v13;
	v14 =	vnsel vm0, $0xFF800000, v20  }
0xe4: {  	v9 =	vcvt.f32.s32 v9;
	v11 =	vadd.f32 v14, v11;
	v7 =	vand.u32 $0x7FFFFFFF, v7;
	v15 =	vld.idx.msk [tilespmem:v26+s8+$0x0], $0xffff  }
0xe5: {  	v6 =	vand.u32 $0x7FFFFFFF, v6;
	v13 =	vand.u32 $0x7FFFFFFF, v13;
	vm0 =	vle.f32 v7, $5.000000000e+00;
	v7 =	vld.idx.msk [tilespmem:v16+s8+$0x0], $0xffff  }
0xe6: {  	vm1 =	vle.f32 v13, $5.000000000e+00;
	v14 =	vnsel vm0, $0xFF800000, v24;
	vm0 =	vle.f32 v6, $5.000000000e+00;
	v6 =	vld.idx.msk [tilespmem:v22+s9+$0x0], $0xffff  }
0xe7: {  	v10 =	vsub.f32 v27, v10;
	v13 =	vnsel vm0, $0xFF800000, v21;
	v8 =	vsub.f32 v17, v8;
	v16 =	vld.idx.msk [tilespmem:v23+s9+$0x0], $0xffff  }
0xe8: {  	v12 =	vadd.f32 v14, v12;
	v5 =	vadd.f32 v13, v5;
	v13 =	vld.idx.msk [tilespmem:v28+s9+$0x0], $0xffff  }
0xe9: {  	v14 =	vnsel vm1, $0xFF800000, v25;
	v8 =	vand.u32 $0x7FFFFFFF, v8;
	v15 =	vsub.f32 v29, v15  }
0xea: {  	v9 =	vld.idx.msk [tilespmem:v9+s9+$0x0], $0xffff;
	v14 =	vadd.f32 v14, v18;
	vm0 =	vle.f32 v8, $5.000000000e+00;
	v7 =	vsub.f32 v30, v7  }
0xeb: {  	v8 =	vand.u32 $0x7FFFFFFF, v10;
	v6 =	vnsel vm0, $0xFF800000, v6;
	v10 =	vand.u32 $0x7FFFFFFF, v15  }
0xec: {  	vm0 =	vle.f32 v8, $5.000000000e+00;
	v7 =	vand.u32 $0x7FFFFFFF, v7;
	vm1 =	vle.f32 v10, $5.000000000e+00  }
0xed: {  	v8 =	vnsel vm0, $0xFF800000, v16;
	vm0 =	vle.f32 v7, $5.000000000e+00;
	v7 =	vnsel vm1, $0xFF800000, v13  }
0xee: {  	v8 =	vadd.f32 v8, v12;
	v7 =	vadd.f32 v7, v14  }
0xef: {  	s16 =	simm.s32 $0x0;
	v6 =	vadd.f32 v6, v11;
	v9 =	vnsel vm0, $0xFF800000, v9  }
0xf0: {  	v5 =	vadd.f32 v9, v5;
	v7 =	vadd.f32 v7, v8;
	v8 =	vmov s16  }
0xf1: {  	s21 =	simm.s32 $0x3;
	v8 =	vand.u32 $0x7C, v8  }
0xf2: {  	v5 =	vadd.f32 v6, v5;
	v6 =	vor.u32 s21, v3;
	v8 =	vbroadcast v8, $0x0;
	_ =	sdelay $0x1  }
0xf3: {  	s22 =	simm.s32 $0x2;
	v5 =	vadd.f32 v5, v7;
	v8 =	vor.u32 v3, v8  }
0xf4: {  	s23 =	simm.s32 $0x1;
	v7 =	vmov s22  }
0xf5: {  	[tilespmem:$0x80A0] =	vst v5;
	v5 =	vand.u32 $0x7E, v7;
	v7 =	vmov s23  }
0xf6: {  	v5 =	vbroadcast v5, $0x0;
	v9 =	vld.idx.msk [tilespmem:v6+s2+$0x0], $0xffff;
	v7 =	vand.u32 $0x7D, v7  }
0xf7: {  	v7 =	vbroadcast v7, $0x0  }
0xf8: {  	v11 =	vor.u32 v3, v5;
	v12 =	vld.idx.msk [tilespmem:v8+s2+$0x0], $0xffff  }
0xf9: {  	s24 =	simm.s32 $0x4;
	v14 =	vor.u32 v3, v7  }
0xfa: {  	v5 =	vmov s24  }
0xfb: {  	s25 =	simm.s32 $0x7;
	v19 =	vld.idx.msk [tilespmem:v6+s8+$0x0], $0xffff;
	v5 =	vand.u32 $0x7C, v5;
	v7 =	vtrunc.f32 v9  }
0xfc: {  	s26 =	simm.s32 $0x6;
	v17 =	vor.u32 s25, v3;
	v5 =	vbroadcast v5, $0x0;
	v22 =	vld.idx.msk [tilespmem:v8+s8+$0x0], $0xffff;
	v13 =	vcvt.f32.s32 v7  }
0xfd: {  	v10 =	vmov s26;
	v16 =	vld.idx.msk [tilespmem:v11+s2+$0x0], $0xffff;
	v15 =	vtrunc.f32 v12  }
0xfe: {  	v7 =	vor.u32 v3, v5;
	v5 =	vand.u32 $0x7E, v10;
	v18 =	vld.idx.msk [tilespmem:v14+s2+$0x0], $0xffff;
	v15 =	vcvt.f32.s32 v15  }
0xff: {  	s29 =	simm.s32 $0x8;
	v6 =	vbroadcast v5, $0x0;
	v26 =	vld.idx.msk [tilespmem:v14+s8+$0x0], $0xffff  }
0x100: {  	s30 =	simm.s32 $0xB;
	v24 =	vmov s29  }
0x101: {  	s28 =	simm.s32 $0x5;
	v19 =	vsub.f32 v9, v19;
	v9 =	vor.u32 s30, v3;
	v10 =	vld.idx.msk [tilespmem:v17+s2+$0x0], $0xffff;
	v6 =	vor.u32 v3, v6  }
0x102: {  	v12 =	vsub.f32 v12, v22;
	v20 =	vtrunc.f32 v16;
	v21 =	vld.idx.msk [tilespmem:v13+s9+$0x0], $0xffff;
	v13 =	vmov s28  }
0x103: {  	v8 =	vld.idx.msk [tilespmem:v7+s2+$0x0], $0xffff;
	v20 =	vcvt.f32.s32 v20;
	v13 =	vand.u32 $0x7D, v13;
	v23 =	vtrunc.f32 v18  }
0x104: {  	v18 =	vsub.f32 v18, v26;
	v13 =	vbroadcast v13, $0x0;
	v23 =	vcvt.f32.s32 v23;
	v25 =	vld.idx.msk [tilespmem:v15+s9+$0x0], $0xffff  }
0x105: {  	v5 =	vimm.f32 $0.0e+00;
	v12 =	vand.u32 $0x7FFFFFFF, v12;
	v15 =	vand.u32 $0x7C, v24;
	v24 =	vld.idx.msk [tilespmem:v11+s8+$0x0], $0xffff  }
0x106: {  	v18 =	vand.u32 $0x7FFFFFFF, v18;
	v13 =	vor.u32 v3, v13;
	v11 =	vand.u32 $0x7FFFFFFF, v19  }
0x107: {  	s31 =	simm.s32 $0xA;
	v14 =	vld.idx.msk [tilespmem:v6+s2+$0x0], $0xffff;
	v19 =	vtrunc.f32 v10;
	v15 =	vbroadcast v15, $0x0;
	vm0 =	vle.f32 v11, $5.000000000e+00  }
0x108: {  	v27 =	vcvt.f32.s32 v19;
	v19 =	vmov s31;
	v11 =	vnsel vm0, $0xFF800000, v21  }
0x109: {  	v19 =	vand.u32 $0x7E, v19;
	vm0 =	vle.f32 v12, $5.000000000e+00;
	v15 =	vor.u32 v3, v15;
	v62 =	vld.idx.msk [tilespmem:v20+s9+$0x0], $0xffff  }
0x10a: {  	v20 =	vtrunc.f32 v8;
	v21 =	vbroadcast v19, $0x0;
	v23 =	vld.idx.msk [tilespmem:v23+s9+$0x0], $0xffff;
	v63 =	vsub.f32 v16, v24  }
0x10b: {  	v11 =	vadd.f32 v11, v5;
	v24 =	vcvt.f32.s32 v20;
	v19 =	vld.idx.msk [tilespmem:v13+s2+$0x0], $0xffff;
	v12 =	vnsel vm0, $0xFF800000, v25  }
0x10c: {  	v22 =	vld.idx.msk [tilespmem:v17+s8+$0x0], $0xffff;
	v16 =	vor.u32 v3, v21;
	v21 =	vtrunc.f32 v14;
	v20 =	vand.u32 $0x7FFFFFFF, v63  }
0x10d: {  	v17 =	vld.idx.msk [tilespmem:v9+s2+$0x0], $0xffff;
	vm0 =	vle.f32 v18, $5.000000000e+00;
	v18 =	vimm.f32 $0.0e+00;
	vm1 =	vle.f32 v20, $5.000000000e+00  }
0x10e: {  	s17 =	simm.s32 $0x9;
	s16 =	simm.s32 $0xC;
	v12 =	vadd.f32 v12, v5;
	v21 =	vcvt.f32.s32 v21;
	v20 =	vld.idx.msk [tilespmem:v27+s9+$0x0], $0xffff;
	v25 =	vnsel vm1, $0xFF800000, v62  }
.LBB2_8:
0x10f: {  	p0 =	sne.s32 s16, $0x7C;
	v26 =	vmov s17;
	v27 =	vld.idx.msk [tilespmem:v7+s8+$0x0], $0xffff;
	v23 =	vnsel vm0, $0xFF800000, v23;
	v5 =	vadd.f32 v25, v5;
	v7 =	vmovc v15  }
0x110: {  	v28 =	vmovc v19;
	v25 =	vld.idx.msk [tilespmem:v15+s2+$0x0], $0xffff;
	v15 =	vand.u32 $0x7D, v26;
	v26 =	vtrunc.f32 v19;
	v18 =	vadd.f32 v23, v18  }
0x111: {  	s17 =	sadd.s32 $0x3, s16;
	v23 =	vsub.f32 v10, v22;
	v15 =	vbroadcast v15, $0x0;
	v29 =	vld.idx.msk [tilespmem:v24+s9+$0x0], $0xffff;
	v19 =	vcvt.f32.s32 v26  }
0x112: {  	v22 =	vmov s16;
	v26 =	vor.u32 s17, v3;
	v24 =	vld.idx.msk [tilespmem:v6+s8+$0x0], $0xffff;
	v6 =	vmov v16  }
0x113: {  	v22 =	vand.u32 $0x7C, v22;
	v10 =	vmovc v17;
	v30 =	vld.idx.msk [tilespmem:v13+s8+$0x0], $0xffff;
	v13 =	vor.u32 v3, v15;
	v15 =	vand.u32 $0x7FFFFFFF, v23  }
0x114: {  	v17 =	vbroadcast v22, $0x0;
	v22 =	vtrunc.f32 v10;
	vm0 =	vle.f32 v15, $5.000000000e+00  }
0x115: {  	s17 =	sadd.s32 $0x2, s16;
	v32 =	vcvt.f32.s32 v22;
	v31 =	vld.idx.msk [tilespmem:v16+s2+$0x0], $0xffff;
	v16 =	vsub.f32 v8, v27;
	v20 =	vnsel vm0, $0xFF800000, v20  }
0x116: {  	v15 =	vor.u32 v3, v17;
	v17 =	vmov s17;
	v8 =	vmovc v25;
	v27 =	vld.idx.msk [tilespmem:v21+s9+$0x0], $0xffff;
	v11 =	vadd.f32 v20, v11  }
0x117: {  	v17 =	vand.u32 $0x7E, v17;
	v20 =	vtrunc.f32 v8;
	v16 =	vand.u32 $0x7FFFFFFF, v16;
	v23 =	vld.idx.msk [tilespmem:v19+s9+$0x0], $0xffff  }
.Ltmp3:
0x118: {  	v17 =	vbroadcast v17, $0x0;
	v33 =	vsub.f32 v14, v24;
	v19 =	vld.idx.msk [tilespmem:v13+s2+$0x0], $0xffff;
	vm0 =	vle.f32 v16, $5.000000000e+00;
	(pc) =	sbr.rel @p0 .LBB2_8-.Ltmp3, $4  }
0x119: {  	v24 =	vcvt.f32.s32 v20;
	v21 =	vsub.f32 v28, v30;
	v22 =	vld.idx.msk [tilespmem:v9+s8+$0x0], $0xffff;
	v20 =	vnsel vm0, $0xFF800000, v29;
	v9 =	vmovc v26  }
0x11a: {  	v16 =	vor.u32 v3, v17;
	v28 =	vand.u32 $0x7FFFFFFF, v33;
	v12 =	vadd.f32 v20, v12  }
0x11b: {  	v20 =	vtrunc.f32 v31;
	v25 =	vand.u32 $0x7FFFFFFF, v21;
	vm1 =	vle.f32 v28, $5.000000000e+00;
	v14 =	vmovc v31;
	v17 =	vld.idx.msk [tilespmem:v26+s2+$0x0], $0xffff  }
0x11c: {  	s17 =	sadd.s32 $0x1, s16;
	s16 =	sadd.s32 $0x4, s16;
	v21 =	vcvt.f32.s32 v20;
	vm0 =	vle.f32 v25, $5.000000000e+00;
	v25 =	vnsel vm1, $0xFF800000, v27;
	v20 =	vld.idx.msk [tilespmem:v32+s9+$0x0], $0xffff  }
0x11d: {  	v26 =	vmov s17  }
0x11e: {  	v26 =	vand.u32 $0x7D, v26  }
0x11f: {  	v26 =	vbroadcast v26, $0x0;
	_ =	sdelay $0x1  }
0x120: {  	v26 =	vor.u32 v3, v26  }
0x121: {  	v7 =	vld.idx.msk [tilespmem:v7+s8+$0x0], $0xffff  }
0x122: {  	v27 =	vld.idx.msk [tilespmem:v15+s2+$0x0], $0xffff  }
0x123: {  	v24 =	vld.idx.msk [tilespmem:v24+s9+$0x0], $0xffff  }
0x124: {  	v28 =	vtrunc.f32 v19;
	v30 =	vld.idx.msk [tilespmem:v16+s2+$0x0], $0xffff  }
0x125: {  	v28 =	vcvt.f32.s32 v28;
	v29 =	vld.idx.msk [tilespmem:v26+s2+$0x0], $0xffff  }
0x126: {  	v6 =	vld.idx.msk [tilespmem:v6+s8+$0x0], $0xffff;
	v10 =	vsub.f32 v10, v22  }
0x127: {  	v23 =	vnsel vm0, $0xFF800000, v23;
	v13 =	vld.idx.msk [tilespmem:v13+s8+$0x0], $0xffff  }
0x128: {  	v18 =	vadd.f32 v23, v18;
	v21 =	vld.idx.msk [tilespmem:v21+s9+$0x0], $0xffff;
	v22 =	vtrunc.f32 v17;
	v10 =	vand.u32 $0x7FFFFFFF, v10  }
0x129: {  	v22 =	vcvt.f32.s32 v22;
	vm0 =	vle.f32 v10, $5.000000000e+00;
	v10 =	vld.idx.msk [tilespmem:v15+s8+$0x0], $0xffff;
	v23 =	vtrunc.f32 v27  }
0x12a: {  	v7 =	vsub.f32 v8, v7;
	v8 =	vld.idx.msk [tilespmem:v9+s8+$0x0], $0xffff;
	v23 =	vcvt.f32.s32 v23;
	v61 =	vtrunc.f32 v29  }
0x12b: {  	v5 =	vadd.f32 v25, v5;
	v9 =	vtrunc.f32 v30;
	v25 =	vld.idx.msk [tilespmem:v28+s9+$0x0], $0xffff;
	v28 =	vcvt.f32.s32 v61  }
0x12c: {  	v6 =	vsub.f32 v14, v6;
	v13 =	vsub.f32 v19, v13;
	v14 =	vnsel vm0, $0xFF800000, v20  }
0x12d: {  	v9 =	vcvt.f32.s32 v9;
	v11 =	vadd.f32 v14, v11;
	v7 =	vand.u32 $0x7FFFFFFF, v7;
	v15 =	vld.idx.msk [tilespmem:v26+s8+$0x0], $0xffff  }
0x12e: {  	v6 =	vand.u32 $0x7FFFFFFF, v6;
	v13 =	vand.u32 $0x7FFFFFFF, v13;
	vm0 =	vle.f32 v7, $5.000000000e+00;
	v7 =	vld.idx.msk [tilespmem:v16+s8+$0x0], $0xffff  }
0x12f: {  	vm1 =	vle.f32 v13, $5.000000000e+00;
	v14 =	vnsel vm0, $0xFF800000, v24;
	vm0 =	vle.f32 v6, $5.000000000e+00;
	v6 =	vld.idx.msk [tilespmem:v22+s9+$0x0], $0xffff  }
0x130: {  	v10 =	vsub.f32 v27, v10;
	v13 =	vnsel vm0, $0xFF800000, v21;
	v8 =	vsub.f32 v17, v8;
	v16 =	vld.idx.msk [tilespmem:v23+s9+$0x0], $0xffff  }
0x131: {  	v12 =	vadd.f32 v14, v12;
	v5 =	vadd.f32 v13, v5;
	v13 =	vld.idx.msk [tilespmem:v28+s9+$0x0], $0xffff  }
0x132: {  	v14 =	vnsel vm1, $0xFF800000, v25;
	v8 =	vand.u32 $0x7FFFFFFF, v8;
	v15 =	vsub.f32 v29, v15  }
0x133: {  	v9 =	vld.idx.msk [tilespmem:v9+s9+$0x0], $0xffff;
	v14 =	vadd.f32 v14, v18;
	vm0 =	vle.f32 v8, $5.000000000e+00;
	v7 =	vsub.f32 v30, v7  }
0x134: {  	v8 =	vand.u32 $0x7FFFFFFF, v10;
	v6 =	vnsel vm0, $0xFF800000, v6;
	v10 =	vand.u32 $0x7FFFFFFF, v15  }
0x135: {  	vm0 =	vle.f32 v8, $5.000000000e+00;
	v7 =	vand.u32 $0x7FFFFFFF, v7;
	vm1 =	vle.f32 v10, $5.000000000e+00  }
0x136: {  	v8 =	vnsel vm0, $0xFF800000, v16;
	vm0 =	vle.f32 v7, $5.000000000e+00;
	v7 =	vnsel vm1, $0xFF800000, v13  }
0x137: {  	v8 =	vadd.f32 v8, v12;
	v7 =	vadd.f32 v7, v14  }
0x138: {  	s16 =	simm.s32 $0x0;
	v6 =	vadd.f32 v6, v11;
	v9 =	vnsel vm0, $0xFF800000, v9  }
0x139: {  	v5 =	vadd.f32 v9, v5;
	v7 =	vadd.f32 v7, v8;
	v8 =	vmov s16  }
0x13a: {  	s21 =	simm.s32 $0x3;
	v8 =	vand.u32 $0x7C, v8  }
0x13b: {  	v5 =	vadd.f32 v6, v5;
	v6 =	vor.u32 s21, v4;
	v8 =	vbroadcast v8, $0x0;
	_ =	sdelay $0x1  }
0x13c: {  	s22 =	simm.s32 $0x2;
	v5 =	vadd.f32 v5, v7;
	v8 =	vor.u32 v4, v8  }
0x13d: {  	s23 =	simm.s32 $0x1;
	v7 =	vmov s22  }
0x13e: {  	[tilespmem:$0x80B0] =	vst v5;
	v5 =	vand.u32 $0x7E, v7;
	v7 =	vmov s23  }
0x13f: {  	v5 =	vbroadcast v5, $0x0;
	v9 =	vld.idx.msk [tilespmem:v6+s2+$0x0], $0xffff;
	v7 =	vand.u32 $0x7D, v7  }
0x140: {  	v7 =	vbroadcast v7, $0x0  }
0x141: {  	v11 =	vor.u32 v4, v5;
	v12 =	vld.idx.msk [tilespmem:v8+s2+$0x0], $0xffff  }
0x142: {  	s24 =	simm.s32 $0x4;
	v14 =	vor.u32 v4, v7  }
0x143: {  	v5 =	vmov s24  }
0x144: {  	s25 =	simm.s32 $0x7;
	v19 =	vld.idx.msk [tilespmem:v6+s8+$0x0], $0xffff;
	v5 =	vand.u32 $0x7C, v5;
	v7 =	vtrunc.f32 v9  }
0x145: {  	s26 =	simm.s32 $0x6;
	v17 =	vor.u32 s25, v4;
	v5 =	vbroadcast v5, $0x0;
	v22 =	vld.idx.msk [tilespmem:v8+s8+$0x0], $0xffff;
	v13 =	vcvt.f32.s32 v7  }
0x146: {  	v10 =	vmov s26;
	v16 =	vld.idx.msk [tilespmem:v11+s2+$0x0], $0xffff;
	v15 =	vtrunc.f32 v12  }
0x147: {  	v7 =	vor.u32 v4, v5;
	v5 =	vand.u32 $0x7E, v10;
	v18 =	vld.idx.msk [tilespmem:v14+s2+$0x0], $0xffff;
	v15 =	vcvt.f32.s32 v15  }
0x148: {  	s29 =	simm.s32 $0x8;
	v6 =	vbroadcast v5, $0x0;
	v26 =	vld.idx.msk [tilespmem:v14+s8+$0x0], $0xffff  }
0x149: {  	s30 =	simm.s32 $0xB;
	v24 =	vmov s29  }
0x14a: {  	s28 =	simm.s32 $0x5;
	v19 =	vsub.f32 v9, v19;
	v9 =	vor.u32 s30, v4;
	v10 =	vld.idx.msk [tilespmem:v17+s2+$0x0], $0xffff;
	v6 =	vor.u32 v4, v6  }
0x14b: {  	v12 =	vsub.f32 v12, v22;
	v20 =	vtrunc.f32 v16;
	v21 =	vld.idx.msk [tilespmem:v13+s9+$0x0], $0xffff;
	v13 =	vmov s28  }
0x14c: {  	v8 =	vld.idx.msk [tilespmem:v7+s2+$0x0], $0xffff;
	v20 =	vcvt.f32.s32 v20;
	v13 =	vand.u32 $0x7D, v13;
	v23 =	vtrunc.f32 v18  }
0x14d: {  	v18 =	vsub.f32 v18, v26;
	v13 =	vbroadcast v13, $0x0;
	v23 =	vcvt.f32.s32 v23;
	v25 =	vld.idx.msk [tilespmem:v15+s9+$0x0], $0xffff  }
0x14e: {  	v5 =	vimm.f32 $0.0e+00;
	v12 =	vand.u32 $0x7FFFFFFF, v12;
	v15 =	vand.u32 $0x7C, v24;
	v24 =	vld.idx.msk [tilespmem:v11+s8+$0x0], $0xffff  }
0x14f: {  	v18 =	vand.u32 $0x7FFFFFFF, v18;
	v13 =	vor.u32 v4, v13;
	v11 =	vand.u32 $0x7FFFFFFF, v19  }
0x150: {  	s31 =	simm.s32 $0xA;
	v14 =	vld.idx.msk [tilespmem:v6+s2+$0x0], $0xffff;
	v19 =	vtrunc.f32 v10;
	v15 =	vbroadcast v15, $0x0;
	vm0 =	vle.f32 v11, $5.000000000e+00  }
0x151: {  	v27 =	vcvt.f32.s32 v19;
	v19 =	vmov s31;
	v11 =	vnsel vm0, $0xFF800000, v21  }
0x152: {  	v19 =	vand.u32 $0x7E, v19;
	vm0 =	vle.f32 v12, $5.000000000e+00;
	v15 =	vor.u32 v4, v15;
	v62 =	vld.idx.msk [tilespmem:v20+s9+$0x0], $0xffff  }
0x153: {  	v20 =	vtrunc.f32 v8;
	v21 =	vbroadcast v19, $0x0;
	v23 =	vld.idx.msk [tilespmem:v23+s9+$0x0], $0xffff;
	v63 =	vsub.f32 v16, v24  }
0x154: {  	v11 =	vadd.f32 v11, v5;
	v24 =	vcvt.f32.s32 v20;
	v19 =	vld.idx.msk [tilespmem:v13+s2+$0x0], $0xffff;
	v12 =	vnsel vm0, $0xFF800000, v25  }
0x155: {  	v22 =	vld.idx.msk [tilespmem:v17+s8+$0x0], $0xffff;
	v16 =	vor.u32 v4, v21;
	v21 =	vtrunc.f32 v14;
	v20 =	vand.u32 $0x7FFFFFFF, v63  }
0x156: {  	v17 =	vld.idx.msk [tilespmem:v9+s2+$0x0], $0xffff;
	vm0 =	vle.f32 v18, $5.000000000e+00;
	v18 =	vimm.f32 $0.0e+00;
	vm1 =	vle.f32 v20, $5.000000000e+00  }
0x157: {  	s17 =	simm.s32 $0x9;
	s16 =	simm.s32 $0xC;
	v12 =	vadd.f32 v12, v5;
	v21 =	vcvt.f32.s32 v21;
	v20 =	vld.idx.msk [tilespmem:v27+s9+$0x0], $0xffff;
	v25 =	vnsel vm1, $0xFF800000, v62  }
.LBB2_10:
0x158: {  	p0 =	sne.s32 s16, $0x7C;
	v26 =	vmov s17;
	v27 =	vld.idx.msk [tilespmem:v7+s8+$0x0], $0xffff;
	v23 =	vnsel vm0, $0xFF800000, v23;
	v5 =	vadd.f32 v25, v5;
	v7 =	vmovc v15  }
0x159: {  	v28 =	vmovc v19;
	v25 =	vld.idx.msk [tilespmem:v15+s2+$0x0], $0xffff;
	v15 =	vand.u32 $0x7D, v26;
	v26 =	vtrunc.f32 v19;
	v18 =	vadd.f32 v23, v18  }
0x15a: {  	s17 =	sadd.s32 $0x3, s16;
	v23 =	vsub.f32 v10, v22;
	v15 =	vbroadcast v15, $0x0;
	v29 =	vld.idx.msk [tilespmem:v24+s9+$0x0], $0xffff;
	v19 =	vcvt.f32.s32 v26  }
0x15b: {  	v22 =	vmov s16;
	v26 =	vor.u32 s17, v4;
	v24 =	vld.idx.msk [tilespmem:v6+s8+$0x0], $0xffff;
	v6 =	vmov v16  }
0x15c: {  	v22 =	vand.u32 $0x7C, v22;
	v10 =	vmovc v17;
	v30 =	vld.idx.msk [tilespmem:v13+s8+$0x0], $0xffff;
	v13 =	vor.u32 v4, v15;
	v15 =	vand.u32 $0x7FFFFFFF, v23  }
0x15d: {  	v17 =	vbroadcast v22, $0x0;
	v22 =	vtrunc.f32 v10;
	vm0 =	vle.f32 v15, $5.000000000e+00  }
0x15e: {  	s17 =	sadd.s32 $0x2, s16;
	v32 =	vcvt.f32.s32 v22;
	v31 =	vld.idx.msk [tilespmem:v16+s2+$0x0], $0xffff;
	v16 =	vsub.f32 v8, v27;
	v20 =	vnsel vm0, $0xFF800000, v20  }
0x15f: {  	v15 =	vor.u32 v4, v17;
	v17 =	vmov s17;
	v8 =	vmovc v25;
	v27 =	vld.idx.msk [tilespmem:v21+s9+$0x0], $0xffff;
	v11 =	vadd.f32 v20, v11  }
0x160: {  	v17 =	vand.u32 $0x7E, v17;
	v20 =	vtrunc.f32 v8;
	v16 =	vand.u32 $0x7FFFFFFF, v16;
	v23 =	vld.idx.msk [tilespmem:v19+s9+$0x0], $0xffff  }
.Ltmp4:
0x161: {  	v17 =	vbroadcast v17, $0x0;
	v33 =	vsub.f32 v14, v24;
	v19 =	vld.idx.msk [tilespmem:v13+s2+$0x0], $0xffff;
	vm0 =	vle.f32 v16, $5.000000000e+00;
	(pc) =	sbr.rel @p0 .LBB2_10-.Ltmp4, $4  }
0x162: {  	v24 =	vcvt.f32.s32 v20;
	v21 =	vsub.f32 v28, v30;
	v22 =	vld.idx.msk [tilespmem:v9+s8+$0x0], $0xffff;
	v20 =	vnsel vm0, $0xFF800000, v29;
	v9 =	vmovc v26  }
0x163: {  	v16 =	vor.u32 v4, v17;
	v28 =	vand.u32 $0x7FFFFFFF, v33;
	v12 =	vadd.f32 v20, v12  }
0x164: {  	v20 =	vtrunc.f32 v31;
	v25 =	vand.u32 $0x7FFFFFFF, v21;
	vm1 =	vle.f32 v28, $5.000000000e+00;
	v14 =	vmovc v31;
	v17 =	vld.idx.msk [tilespmem:v26+s2+$0x0], $0xffff  }
0x165: {  	s17 =	sadd.s32 $0x1, s16;
	s16 =	sadd.s32 $0x4, s16;
	v21 =	vcvt.f32.s32 v20;
	vm0 =	vle.f32 v25, $5.000000000e+00;
	v25 =	vnsel vm1, $0xFF800000, v27;
	v20 =	vld.idx.msk [tilespmem:v32+s9+$0x0], $0xffff  }
0x166: {  	v26 =	vmov s17  }
0x167: {  	v26 =	vand.u32 $0x7D, v26  }
0x168: {  	v26 =	vbroadcast v26, $0x0;
	_ =	sdelay $0x1  }
0x169: {  	v7 =	vld.idx.msk [tilespmem:v7+s8+$0x0], $0xffff;
	v26 =	vor.u32 v4, v26  }
0x16a: {  	v27 =	vld.idx.msk [tilespmem:v15+s2+$0x0], $0xffff  }
0x16b: {  	v30 =	vld.idx.msk [tilespmem:v16+s2+$0x0], $0xffff  }
0x16c: {  	v28 =	vtrunc.f32 v19;
	v6 =	vld.idx.msk [tilespmem:v6+s8+$0x0], $0xffff  }
0x16d: {  	v13 =	vld.idx.msk [tilespmem:v13+s8+$0x0], $0xffff;
	v28 =	vcvt.f32.s32 v28  }
0x16e: {  	v23 =	vnsel vm0, $0xFF800000, v23;
	v10 =	vsub.f32 v10, v22;
	v29 =	vld.idx.msk [tilespmem:v26+s2+$0x0], $0xffff  }
0x16f: {  	v24 =	vld.idx.msk [tilespmem:v24+s9+$0x0], $0xffff;
	v18 =	vadd.f32 v23, v18;
	v22 =	vtrunc.f32 v17  }
0x170: {  	v21 =	vld.idx.msk [tilespmem:v21+s9+$0x0], $0xffff;
	v10 =	vand.u32 $0x7FFFFFFF, v10;
	v22 =	vcvt.f32.s32 v22;
	v23 =	vtrunc.f32 v27  }
0x171: {  	v7 =	vsub.f32 v8, v7;
	v8 =	vld.idx.msk [tilespmem:v9+s8+$0x0], $0xffff;
	v9 =	vtrunc.f32 v30;
	v23 =	vcvt.f32.s32 v23  }
0x172: {  	vm0 =	vle.f32 v10, $5.000000000e+00;
	v10 =	vld.idx.msk [tilespmem:v15+s8+$0x0], $0xffff;
	v6 =	vsub.f32 v14, v6;
	v9 =	vcvt.f32.s32 v9  }
0x173: {  	v13 =	vsub.f32 v19, v13;
	v61 =	vld.idx.msk [tilespmem:v28+s9+$0x0], $0xffff;
	v7 =	vand.u32 $0x7FFFFFFF, v7;
	v62 =	vtrunc.f32 v29  }
0x174: {  	v14 =	vnsel vm0, $0xFF800000, v20;
	vm0 =	vle.f32 v7, $5.000000000e+00;
	v7 =	vld.idx.msk [tilespmem:v16+s8+$0x0], $0xffff;
	v28 =	vcvt.f32.s32 v62  }
0x175: {  	v11 =	vadd.f32 v14, v11;
	v6 =	vand.u32 $0x7FFFFFFF, v6;
	v15 =	vld.idx.msk [tilespmem:v26+s8+$0x0], $0xffff  }
0x176: {  	v13 =	vand.u32 $0x7FFFFFFF, v13;
	v14 =	vnsel vm0, $0xFF800000, v24;
	vm0 =	vle.f32 v6, $5.000000000e+00;
	v6 =	vld.idx.msk [tilespmem:v22+s9+$0x0], $0xffff  }
0x177: {  	v5 =	vadd.f32 v25, v5;
	vm1 =	vle.f32 v13, $5.000000000e+00;
	v8 =	vsub.f32 v17, v8;
	v16 =	vld.idx.msk [tilespmem:v23+s9+$0x0], $0xffff  }
0x178: {  	v10 =	vsub.f32 v27, v10;
	v13 =	vnsel vm0, $0xFF800000, v21;
	v12 =	vadd.f32 v14, v12;
	v9 =	vld.idx.msk [tilespmem:v9+s9+$0x0], $0xffff  }
0x179: {  	v5 =	vadd.f32 v13, v5;
	v8 =	vand.u32 $0x7FFFFFFF, v8;
	v7 =	vsub.f32 v30, v7  }
0x17a: {  	vm0 =	vle.f32 v8, $5.000000000e+00;
	v8 =	vand.u32 $0x7FFFFFFF, v10;
	v15 =	vsub.f32 v29, v15;
	v13 =	vld.idx.msk [tilespmem:v28+s9+$0x0], $0xffff  }
0x17b: {  	v6 =	vnsel vm0, $0xFF800000, v6;
	vm0 =	vle.f32 v8, $5.000000000e+00;
	v7 =	vand.u32 $0x7FFFFFFF, v7  }
0x17c: {  	v14 =	vnsel vm1, $0xFF800000, v61;
	v8 =	vnsel vm0, $0xFF800000, v16;
	vm0 =	vle.f32 v7, $5.000000000e+00  }
0x17d: {  	v14 =	vadd.f32 v14, v18;
	v10 =	vand.u32 $0x7FFFFFFF, v15;
	v9 =	vnsel vm0, $0xFF800000, v9  }
0x17e: {  	v6 =	vadd.f32 v6, v11;
	vm1 =	vle.f32 v10, $5.000000000e+00;
	v5 =	vadd.f32 v9, v5  }
0x17f: {  	s23 =	simm.s32 $0x1;
	v8 =	vadd.f32 v8, v12;
	v7 =	vnsel vm1, $0xFF800000, v13  }
0x180: {  	v6 =	vadd.f32 v6, v5;
	v5 =	vmov s23;
	v7 =	vadd.f32 v7, v14  }
0x181: {  	s16 =	simm.s32 $0x2;
	v10 =	vand.u32 $0x7D, v5  }
0x182: {  	v9 =	vmov s16;
	v10 =	vbroadcast v10, $0x0;
	v7 =	vadd.f32 v7, v8  }
0x183: {  	v5 =	vor.u32 $0x2800, v0;
	v8 =	vand.u32 $0x7E, v9  }
0x184: {  	s25 =	simm.s32 $0x3;
	v8 =	vbroadcast v8, $0x0;
	v6 =	vadd.f32 v6, v7;
	v7 =	vor.u32 v5, v10  }
0x185: {  	s24 =	simm.s32 $0x0;
	v10 =	vor.u32 s25, v5  }
0x186: {  	v9 =	vmov s24;
	v8 =	vor.u32 v5, v8  }
0x187: {  	v9 =	vand.u32 $0x7C, v9  }
0x188: {  	v9 =	vbroadcast v9, $0x0;
	[tilespmem:$0x80C0] =	vst v6  }
0x189: {  	v11 =	vld.idx.msk [tilespmem:v7+s2+$0x0], $0xffff  }
0x18a: {  	s26 =	simm.s32 $0x4;
	v9 =	vor.u32 v5, v9;
	v17 =	vld.idx.msk [tilespmem:v10+s2+$0x0], $0xffff  }
0x18b: {  	s28 =	simm.s32 $0x6;
	v6 =	vmov s26;
	v16 =	vld.idx.msk [tilespmem:v8+s2+$0x0], $0xffff  }
0x18c: {  	s29 =	simm.s32 $0x5;
	v12 =	vand.u32 $0x7C, v6;
	v6 =	vmov s28;
	v7 =	vld.idx.msk [tilespmem:v7+s8+$0x0], $0xffff  }
0x18d: {  	v13 =	vmov s29;
	v6 =	vand.u32 $0x7E, v6;
	v20 =	vld.idx.msk [tilespmem:v10+s8+$0x0], $0xffff  }
0x18e: {  	s16 =	simm.s32 $0x8;
	v13 =	vand.u32 $0x7D, v13;
	v18 =	vbroadcast v6, $0x0;
	v8 =	vld.idx.msk [tilespmem:v8+s8+$0x0], $0xffff  }
0x18f: {  	v21 =	vmov s16;
	v13 =	vbroadcast v13, $0x0;
	v14 =	vld.idx.msk [tilespmem:v9+s2+$0x0], $0xffff  }
0x190: {  	v21 =	vand.u32 $0x7C, v21;
	v9 =	vld.idx.msk [tilespmem:v9+s8+$0x0], $0xffff;
	v10 =	vor.u32 v5, v18;
	v15 =	vtrunc.f32 v16  }
0x191: {  	s30 =	simm.s32 $0x7;
	v63 =	vor.u32 v5, v13;
	v12 =	vbroadcast v12, $0x0;
	v19 =	vcvt.f32.s32 v15  }
0x192: {  	v6 =	vimm.f32 $0.0e+00;
	v18 =	vor.u32 s30, v5;
	v23 =	vtrunc.f32 v11  }
0x193: {  	v7 =	vsub.f32 v11, v7;
	v13 =	vcvt.f32.s32 v23;
	v23 =	vtrunc.f32 v17  }
0x194: {  	v17 =	vsub.f32 v17, v20;
	v8 =	vsub.f32 v16, v8;
	v15 =	vor.u32 v5, v12  }
0x195: {  	v22 =	vtrunc.f32 v14;
	v9 =	vsub.f32 v14, v9;
	v7 =	vand.u32 $0x7FFFFFFF, v7;
	v14 =	vld.idx.msk [tilespmem:v10+s2+$0x0], $0xffff  }
0x196: {  	s31 =	simm.s32 $0x9;
	v11 =	vcvt.f32.s32 v23;
	vm0 =	vle.f32 v7, $5.000000000e+00;
	v7 =	vand.u32 $0x7FFFFFFF, v17;
	v17 =	vld.idx.msk [tilespmem:v63+s2+$0x0], $0xffff  }
0x197: {  	v23 =	vmov s31;
	v12 =	vcvt.f32.s32 v22;
	v22 =	vbroadcast v21, $0x0;
	v20 =	vld.idx.msk [tilespmem:v19+s9+$0x0], $0xffff  }
0x198: {  	v23 =	vand.u32 $0x7D, v23;
	v21 =	vld.idx.msk [tilespmem:v63+s8+$0x0], $0xffff;
	v9 =	vand.u32 $0x7FFFFFFF, v9;
	vm2 =	vle.f32 v7, $5.000000000e+00  }
0x199: {  	v7 =	vand.u32 $0x7FFFFFFF, v8;
	v8 =	vimm.f32 $0.0e+00;
	vm1 =	vle.f32 v9, $5.000000000e+00;
	v16 =	vld.idx.msk [tilespmem:v15+s2+$0x0], $0xffff  }
0x19a: {  	s18 =	simm.s32 $0xA;
	s17 =	simm.s32 $0xC;
	vm3 =	vle.f32 v7, $5.000000000e+00;
	v9 =	vimm.f32 $0.0e+00;
	v7 =	vimm.f32 $0.0e+00;
	v19 =	vld.idx.msk [tilespmem:v18+s2+$0x0], $0xffff  }
.LBB2_12:
0x19b: {  	v23 =	vbroadcast v23, $0x0;
	v24 =	vmov s18  }
0x19c: {  	p0 =	sne.s32 s17, $0x7C;
	v25 =	vld.idx.msk [tilespmem:v15+s8+$0x0], $0xffff;
	v15 =	vnsel vm3, $0xFF800000, v20;
	vm4 =	vmmov vm1;
	vm3 =	vmmov vm2  }
0x19d: {  	v27 =	vmovc v14;
	v20 =	vand.u32 $0x7E, v24;
	v24 =	vtrunc.f32 v14;
	v26 =	vld.idx.msk [tilespmem:v18+s8+$0x0], $0xffff;
	v6 =	vadd.f32 v15, v6  }
0x19e: {  	v14 =	vmov s17;
	v18 =	vbroadcast v20, $0x0;
	v20 =	vcvt.f32.s32 v24;
	v24 =	vld.idx.msk [tilespmem:v13+s9+$0x0], $0xffff  }
0x19f: {  	v28 =	vtrunc.f32 v16;
	v13 =	vtrunc.f32 v17;
	v29 =	vld.idx.msk [tilespmem:v12+s9+$0x0], $0xffff  }
0x1a0: {  	s18 =	sadd.s32 $0x3, s16;
	s16 =	smov.u32 s17;
	v15 =	vor.u32 v5, v22;
	v30 =	vor.u32 v5, v23;
	v22 =	vld.idx.msk [tilespmem:v10+s8+$0x0], $0xffff;
	v10 =	vor.u32 v5, v18  }
0x1a1: {  	v13 =	vcvt.f32.s32 v13;
	v23 =	vtrunc.f32 v19;
	v18 =	vor.u32 s18, v5;
	v31 =	vld.idx.msk [tilespmem:v11+s9+$0x0], $0xffff  }
0x1a2: {  	v12 =	vcvt.f32.s32 v28;
	v17 =	vsub.f32 v17, v21;
	v11 =	vcvt.f32.s32 v23  }
0x1a3: {  	v21 =	vand.u32 $0x7C, v14;
	s18 =	sadd.s32 $0x1, s17;
	v16 =	vsub.f32 v16, v25;
	v19 =	vsub.f32 v19, v26  }
0x1a4: {  	v23 =	vmov s18;
	v17 =	vand.u32 $0x7FFFFFFF, v17;
	v24 =	vnsel vm0, $0xFF800000, v24;
	v20 =	vld.idx.msk [tilespmem:v20+s9+$0x0], $0xffff  }
.Ltmp5:
0x1a5: {  	v16 =	vand.u32 $0x7FFFFFFF, v16;
	vm0 =	vle.f32 v17, $5.000000000e+00;
	v19 =	vand.u32 $0x7FFFFFFF, v19;
	v14 =	vld.idx.msk [tilespmem:v10+s2+$0x0], $0xffff;
	(pc) =	sbr.rel @p0 .LBB2_12-.Ltmp5, $4  }
0x1a6: {  	vm1 =	vle.f32 v16, $5.000000000e+00;
	v22 =	vsub.f32 v27, v22;
	vm2 =	vle.f32 v19, $5.000000000e+00;
	v17 =	vld.idx.msk [tilespmem:v30+s2+$0x0], $0xffff  }
0x1a7: {  	v25 =	vnsel vm4, $0xFF800000, v29;
	v9 =	vadd.f32 v24, v9;
	v24 =	vnsel vm3, $0xFF800000, v31;
	v16 =	vld.idx.msk [tilespmem:v15+s2+$0x0], $0xffff  }
0x1a8: {  	v7 =	vadd.f32 v25, v7;
	v26 =	vand.u32 $0x7FFFFFFF, v22;
	v8 =	vadd.f32 v24, v8;
	v19 =	vld.idx.msk [tilespmem:v18+s2+$0x0], $0xffff  }
0x1a9: {  	s17 =	sadd.s32 $0x4, s17;
	s18 =	sadd.s32 $0x2, s16;
	v23 =	vand.u32 $0x7D, v23;
	v22 =	vbroadcast v21, $0x0;
	vm3 =	vle.f32 v26, $5.000000000e+00;
	v21 =	vld.idx.msk [tilespmem:v30+s8+$0x0], $0xffff  }
0x1aa: {  	_ =	sdelay $0x2  }
0x1ab: {  	v24 =	vmov s18  }
0x1ac: {  	v23 =	vbroadcast v23, $0x0;
	v15 =	vld.idx.msk [tilespmem:v15+s8+$0x0], $0xffff;
	v24 =	vand.u32 $0x7E, v24  }
0x1ad: {  	v18 =	vld.idx.msk [tilespmem:v18+s8+$0x0], $0xffff;
	v22 =	vor.u32 v5, v22;
	v24 =	vbroadcast v24, $0x0  }
0x1ae: {  	v13 =	vld.idx.msk [tilespmem:v13+s9+$0x0], $0xffff;
	v23 =	vor.u32 v5, v23  }
0x1af: {  	v25 =	vtrunc.f32 v14;
	v12 =	vld.idx.msk [tilespmem:v12+s9+$0x0], $0xffff;
	s16 =	sadd.s32 $0x3, s16;
	v24 =	vor.u32 v5, v24  }
0x1b0: {  	v10 =	vld.idx.msk [tilespmem:v10+s8+$0x0], $0xffff;
	v20 =	vnsel vm3, $0xFF800000, v20;
	v25 =	vcvt.f32.s32 v25;
	v5 =	vor.u32 s16, v5  }
0x1b1: {  	v11 =	vld.idx.msk [tilespmem:v11+s9+$0x0], $0xffff;
	v6 =	vadd.f32 v20, v6;
	v20 =	vtrunc.f32 v17  }
0x1b2: {  	v27 =	vtrunc.f32 v19;
	v17 =	vsub.f32 v17, v21;
	v18 =	vsub.f32 v19, v18;
	v19 =	vld.idx.msk [tilespmem:v22+s2+$0x0], $0xffff  }
0x1b3: {  	v26 =	vtrunc.f32 v16;
	v15 =	vsub.f32 v16, v15;
	v16 =	vld.idx.msk [tilespmem:v23+s2+$0x0], $0xffff  }
0x1b4: {  	vm3 =	vmmov vm1;
	v20 =	vcvt.f32.s32 v20;
	v17 =	vand.u32 $0x7FFFFFFF, v17;
	v21 =	vld.idx.msk [tilespmem:v24+s2+$0x0], $0xffff  }
0x1b5: {  	vm2 =	vmmov vm2;
	v26 =	vcvt.f32.s32 v26;
	vm1 =	vle.f32 v17, $5.000000000e+00;
	v17 =	vld.idx.msk [tilespmem:v5+s2+$0x0], $0xffff  }
0x1b6: {  	v27 =	vcvt.f32.s32 v27;
	v13 =	vnsel vm0, $0xFF800000, v13;
	v10 =	vsub.f32 v14, v10;
	v25 =	vld.idx.msk [tilespmem:v25+s9+$0x0], $0xffff  }
0x1b7: {  	v15 =	vand.u32 $0x7FFFFFFF, v15;
	v18 =	vand.u32 $0x7FFFFFFF, v18;
	v14 =	vld.idx.msk [tilespmem:v23+s8+$0x0], $0xffff;
	v23 =	vtrunc.f32 v19  }
0x1b8: {  	vm4 =	vle.f32 v18, $5.000000000e+00;
	v18 =	vld.idx.msk [tilespmem:v22+s8+$0x0], $0xffff;
	v22 =	vtrunc.f32 v16;
	v23 =	vcvt.f32.s32 v23  }
0x1b9: {  	vm0 =	vle.f32 v15, $5.000000000e+00;
	v5 =	vld.idx.msk [tilespmem:v5+s8+$0x0], $0xffff;
	v22 =	vcvt.f32.s32 v22;
	v15 =	vtrunc.f32 v21  }
0x1ba: {  	v9 =	vadd.f32 v13, v9;
	v13 =	vld.idx.msk [tilespmem:v20+s9+$0x0], $0xffff;
	v20 =	vtrunc.f32 v17;
	v15 =	vcvt.f32.s32 v15  }
0x1bb: {  	v12 =	vnsel vm3, $0xFF800000, v12;
	v10 =	vand.u32 $0x7FFFFFFF, v10;
	v24 =	vld.idx.msk [tilespmem:v24+s8+$0x0], $0xffff;
	v20 =	vcvt.f32.s32 v20  }
0x1bc: {  	v11 =	vnsel vm2, $0xFF800000, v11;
	v7 =	vadd.f32 v12, v7;
	vm2 =	vle.f32 v10, $5.000000000e+00;
	v10 =	vld.idx.msk [tilespmem:v26+s9+$0x0], $0xffff  }
0x1bd: {  	v8 =	vadd.f32 v11, v8;
	v12 =	vld.idx.msk [tilespmem:v27+s9+$0x0], $0xffff;
	v14 =	vsub.f32 v16, v14  }
0x1be: {  	v11 =	vnsel vm2, $0xFF800000, v25;
	v16 =	vsub.f32 v19, v18;
	v5 =	vsub.f32 v17, v5;
	v18 =	vld.idx.msk [tilespmem:v23+s9+$0x0], $0xffff  }
0x1bf: {  	vm0 =	vmmov vm0;
	v6 =	vadd.f32 v11, v6;
	v11 =	vand.u32 $0x7FFFFFFF, v14;
	v14 =	vld.idx.msk [tilespmem:v22+s9+$0x0], $0xffff  }
0x1c0: {  	vm2 =	vmmov vm4;
	v13 =	vnsel vm1, $0xFF800000, v13;
	v5 =	vand.u32 $0x7FFFFFFF, v5;
	v15 =	vld.idx.msk [tilespmem:v15+s9+$0x0], $0xffff  }
0x1c1: {  	v17 =	vsub.f32 v21, v24;
	v10 =	vnsel vm0, $0xFF800000, v10;
	vm4 =	vle.f32 v5, $5.000000000e+00;
	v5 =	vld.idx.msk [tilespmem:v20+s9+$0x0], $0xffff  }
0x1c2: {  	v9 =	vadd.f32 v13, v9;
	v16 =	vand.u32 $0x7FFFFFFF, v16;
	vm1 =	vle.f32 v11, $5.000000000e+00  }
0x1c3: {  	v12 =	vnsel vm2, $0xFF800000, v12;
	v7 =	vadd.f32 v10, v7;
	v11 =	vand.u32 $0x7FFFFFFF, v17  }
0x1c4: {  	vm3 =	vle.f32 v16, $5.000000000e+00;
	v8 =	vadd.f32 v12, v8;
	vm0 =	vle.f32 v11, $5.000000000e+00  }
0x1c5: {  	vm2 =	vmmov vm4;
	v10 =	vnsel vm0, $0xFF800000, v15;
	vm0 =	vmmov vm3  }
0x1c6: {  	s23 =	simm.s32 $0x2;
	v11 =	vnsel vm1, $0xFF800000, v14;
	v5 =	vnsel vm2, $0xFF800000, v5;
	v12 =	vnsel vm0, $0xFF800000, v18  }
0x1c7: {  	v6 =	vadd.f32 v10, v6;
	v5 =	vadd.f32 v5, v8;
	v8 =	vmov s23  }
0x1c8: {  	s24 =	simm.s32 $0x1;
	v9 =	vadd.f32 v11, v9;
	v7 =	vadd.f32 v12, v7;
	v8 =	vand.u32 $0x7E, v8  }
0x1c9: {  	v6 =	vadd.f32 v5, v6;
	v5 =	vmov s24;
	v8 =	vbroadcast v8, $0x0  }
0x1ca: {  	v10 =	vand.u32 $0x7D, v5;
	v5 =	vor.u32 $0x3000, v0  }
0x1cb: {  	s17 =	simm.s32 $0x0;
	v7 =	vadd.f32 v9, v7;
	v10 =	vbroadcast v10, $0x0;
	v8 =	vor.u32 v5, v8  }
0x1cc: {  	v9 =	vmov s17  }
0x1cd: {  	s25 =	simm.s32 $0x3;
	v9 =	vand.u32 $0x7C, v9;
	v6 =	vadd.f32 v6, v7;
	v7 =	vor.u32 v5, v10  }
0x1ce: {  	v9 =	vbroadcast v9, $0x0;
	v10 =	vor.u32 s25, v5  }
0x1cf: {  	[tilespmem:$0x80D0] =	vst v6  }
0x1d0: {  	v9 =	vor.u32 v5, v9;
	v16 =	vld.idx.msk [tilespmem:v8+s2+$0x0], $0xffff  }
0x1d1: {  	s26 =	simm.s32 $0x4;
	v8 =	vld.idx.msk [tilespmem:v8+s8+$0x0], $0xffff  }
0x1d2: {  	s28 =	simm.s32 $0x6;
	v6 =	vmov s26;
	v11 =	vld.idx.msk [tilespmem:v7+s2+$0x0], $0xffff  }
0x1d3: {  	s29 =	simm.s32 $0x5;
	v12 =	vand.u32 $0x7C, v6;
	v6 =	vmov s28;
	v17 =	vld.idx.msk [tilespmem:v10+s2+$0x0], $0xffff  }
0x1d4: {  	v13 =	vmov s29;
	v6 =	vand.u32 $0x7E, v6;
	v7 =	vld.idx.msk [tilespmem:v7+s8+$0x0], $0xffff  }
0x1d5: {  	s16 =	simm.s32 $0x8;
	v13 =	vand.u32 $0x7D, v13;
	v18 =	vbroadcast v6, $0x0;
	v14 =	vld.idx.msk [tilespmem:v9+s2+$0x0], $0xffff  }
0x1d6: {  	v21 =	vmov s16;
	v13 =	vbroadcast v13, $0x0;
	v20 =	vld.idx.msk [tilespmem:v10+s8+$0x0], $0xffff  }
0x1d7: {  	v21 =	vand.u32 $0x7C, v21;
	v9 =	vld.idx.msk [tilespmem:v9+s8+$0x0], $0xffff;
	v10 =	vor.u32 v5, v18;
	v15 =	vtrunc.f32 v16  }
0x1d8: {  	s30 =	simm.s32 $0x7;
	v63 =	vor.u32 v5, v13;
	v12 =	vbroadcast v12, $0x0;
	v19 =	vcvt.f32.s32 v15  }
0x1d9: {  	v6 =	vimm.f32 $0.0e+00;
	v18 =	vor.u32 s30, v5;
	v8 =	vsub.f32 v16, v8  }
0x1da: {  	v15 =	vor.u32 v5, v12;
	v23 =	vtrunc.f32 v11;
	v22 =	vtrunc.f32 v14  }
0x1db: {  	v7 =	vsub.f32 v11, v7;
	v13 =	vcvt.f32.s32 v23;
	v23 =	vtrunc.f32 v17  }
0x1dc: {  	v9 =	vsub.f32 v14, v9;
	v17 =	vsub.f32 v17, v20;
	v14 =	vld.idx.msk [tilespmem:v10+s2+$0x0], $0xffff;
	v12 =	vcvt.f32.s32 v22  }
0x1dd: {  	s31 =	simm.s32 $0x9;
	v11 =	vcvt.f32.s32 v23;
	v7 =	vand.u32 $0x7FFFFFFF, v7;
	v22 =	vbroadcast v21, $0x0;
	v21 =	vld.idx.msk [tilespmem:v63+s8+$0x0], $0xffff  }
0x1de: {  	v23 =	vmov s31;
	v9 =	vand.u32 $0x7FFFFFFF, v9;
	vm0 =	vle.f32 v7, $5.000000000e+00;
	v20 =	vld.idx.msk [tilespmem:v19+s9+$0x0], $0xffff  }
0x1df: {  	v7 =	vand.u32 $0x7FFFFFFF, v17;
	v17 =	vld.idx.msk [tilespmem:v63+s2+$0x0], $0xffff;
	v23 =	vand.u32 $0x7D, v23;
	vm1 =	vle.f32 v9, $5.000000000e+00  }
0x1e0: {  	vm2 =	vle.f32 v7, $5.000000000e+00;
	v16 =	vld.idx.msk [tilespmem:v15+s2+$0x0], $0xffff;
	v7 =	vand.u32 $0x7FFFFFFF, v8;
	v9 =	vimm.f32 $0.0e+00  }
0x1e1: {  	s18 =	simm.s32 $0xA;
	s17 =	simm.s32 $0xC;
	v8 =	vimm.f32 $0.0e+00;
	v19 =	vld.idx.msk [tilespmem:v18+s2+$0x0], $0xffff;
	vm3 =	vle.f32 v7, $5.000000000e+00;
	v7 =	vimm.f32 $0.0e+00  }
.LBB2_14:
0x1e2: {  	v23 =	vbroadcast v23, $0x0;
	v24 =	vmov s18  }
0x1e3: {  	p0 =	sne.s32 s17, $0x7C;
	v25 =	vld.idx.msk [tilespmem:v15+s8+$0x0], $0xffff;
	v15 =	vnsel vm3, $0xFF800000, v20;
	vm4 =	vmmov vm1;
	vm3 =	vmmov vm2  }
0x1e4: {  	v27 =	vmovc v14;
	v20 =	vand.u32 $0x7E, v24;
	v24 =	vtrunc.f32 v14;
	v26 =	vld.idx.msk [tilespmem:v18+s8+$0x0], $0xffff;
	v6 =	vadd.f32 v15, v6  }
0x1e5: {  	v14 =	vmov s17;
	v18 =	vbroadcast v20, $0x0;
	v20 =	vcvt.f32.s32 v24;
	v24 =	vld.idx.msk [tilespmem:v13+s9+$0x0], $0xffff  }
0x1e6: {  	v28 =	vtrunc.f32 v16;
	v13 =	vtrunc.f32 v17;
	v29 =	vld.idx.msk [tilespmem:v12+s9+$0x0], $0xffff  }
0x1e7: {  	s18 =	sadd.s32 $0x3, s16;
	s16 =	smov.u32 s17;
	v15 =	vor.u32 v5, v22;
	v30 =	vor.u32 v5, v23;
	v22 =	vld.idx.msk [tilespmem:v10+s8+$0x0], $0xffff;
	v10 =	vor.u32 v5, v18  }
0x1e8: {  	v13 =	vcvt.f32.s32 v13;
	v23 =	vtrunc.f32 v19;
	v18 =	vor.u32 s18, v5;
	v31 =	vld.idx.msk [tilespmem:v11+s9+$0x0], $0xffff  }
0x1e9: {  	v12 =	vcvt.f32.s32 v28;
	v17 =	vsub.f32 v17, v21;
	v11 =	vcvt.f32.s32 v23  }
0x1ea: {  	v21 =	vand.u32 $0x7C, v14;
	s18 =	sadd.s32 $0x1, s17;
	v16 =	vsub.f32 v16, v25;
	v19 =	vsub.f32 v19, v26  }
0x1eb: {  	v23 =	vmov s18;
	v17 =	vand.u32 $0x7FFFFFFF, v17;
	v24 =	vnsel vm0, $0xFF800000, v24;
	v20 =	vld.idx.msk [tilespmem:v20+s9+$0x0], $0xffff  }
.Ltmp6:
0x1ec: {  	v16 =	vand.u32 $0x7FFFFFFF, v16;
	vm0 =	vle.f32 v17, $5.000000000e+00;
	v19 =	vand.u32 $0x7FFFFFFF, v19;
	v14 =	vld.idx.msk [tilespmem:v10+s2+$0x0], $0xffff;
	(pc) =	sbr.rel @p0 .LBB2_14-.Ltmp6, $4  }
0x1ed: {  	vm1 =	vle.f32 v16, $5.000000000e+00;
	v22 =	vsub.f32 v27, v22;
	vm2 =	vle.f32 v19, $5.000000000e+00;
	v17 =	vld.idx.msk [tilespmem:v30+s2+$0x0], $0xffff  }
0x1ee: {  	v25 =	vnsel vm4, $0xFF800000, v29;
	v9 =	vadd.f32 v24, v9;
	v24 =	vnsel vm3, $0xFF800000, v31;
	v16 =	vld.idx.msk [tilespmem:v15+s2+$0x0], $0xffff  }
0x1ef: {  	v7 =	vadd.f32 v25, v7;
	v26 =	vand.u32 $0x7FFFFFFF, v22;
	v8 =	vadd.f32 v24, v8;
	v19 =	vld.idx.msk [tilespmem:v18+s2+$0x0], $0xffff  }
0x1f0: {  	s17 =	sadd.s32 $0x4, s17;
	s18 =	sadd.s32 $0x2, s16;
	v23 =	vand.u32 $0x7D, v23;
	v22 =	vbroadcast v21, $0x0;
	vm3 =	vle.f32 v26, $5.000000000e+00;
	v21 =	vld.idx.msk [tilespmem:v30+s8+$0x0], $0xffff  }
0x1f1: {  	_ =	sdelay $0x2  }
0x1f2: {  	v24 =	vmov s18  }
0x1f3: {  	v23 =	vbroadcast v23, $0x0;
	v15 =	vld.idx.msk [tilespmem:v15+s8+$0x0], $0xffff;
	v24 =	vand.u32 $0x7E, v24  }
0x1f4: {  	v18 =	vld.idx.msk [tilespmem:v18+s8+$0x0], $0xffff;
	v22 =	vor.u32 v5, v22;
	v24 =	vbroadcast v24, $0x0  }
0x1f5: {  	v13 =	vld.idx.msk [tilespmem:v13+s9+$0x0], $0xffff;
	v23 =	vor.u32 v5, v23  }
0x1f6: {  	v25 =	vtrunc.f32 v14;
	v12 =	vld.idx.msk [tilespmem:v12+s9+$0x0], $0xffff;
	s16 =	sadd.s32 $0x3, s16;
	v24 =	vor.u32 v5, v24  }
0x1f7: {  	v10 =	vld.idx.msk [tilespmem:v10+s8+$0x0], $0xffff;
	v20 =	vnsel vm3, $0xFF800000, v20;
	v25 =	vcvt.f32.s32 v25;
	v5 =	vor.u32 s16, v5  }
0x1f8: {  	v11 =	vld.idx.msk [tilespmem:v11+s9+$0x0], $0xffff;
	v6 =	vadd.f32 v20, v6;
	v20 =	vtrunc.f32 v17  }
0x1f9: {  	v27 =	vtrunc.f32 v19;
	v17 =	vsub.f32 v17, v21;
	v18 =	vsub.f32 v19, v18;
	v19 =	vld.idx.msk [tilespmem:v22+s2+$0x0], $0xffff  }
0x1fa: {  	v26 =	vtrunc.f32 v16;
	v15 =	vsub.f32 v16, v15;
	v16 =	vld.idx.msk [tilespmem:v23+s2+$0x0], $0xffff  }
0x1fb: {  	vm3 =	vmmov vm1;
	v20 =	vcvt.f32.s32 v20;
	v17 =	vand.u32 $0x7FFFFFFF, v17;
	v21 =	vld.idx.msk [tilespmem:v24+s2+$0x0], $0xffff  }
0x1fc: {  	vm2 =	vmmov vm2;
	v26 =	vcvt.f32.s32 v26;
	vm1 =	vle.f32 v17, $5.000000000e+00;
	v17 =	vld.idx.msk [tilespmem:v5+s2+$0x0], $0xffff  }
0x1fd: {  	v27 =	vcvt.f32.s32 v27;
	v13 =	vnsel vm0, $0xFF800000, v13;
	v10 =	vsub.f32 v14, v10;
	v25 =	vld.idx.msk [tilespmem:v25+s9+$0x0], $0xffff  }
0x1fe: {  	v15 =	vand.u32 $0x7FFFFFFF, v15;
	v18 =	vand.u32 $0x7FFFFFFF, v18;
	v14 =	vld.idx.msk [tilespmem:v23+s8+$0x0], $0xffff;
	v23 =	vtrunc.f32 v19  }
0x1ff: {  	vm4 =	vle.f32 v18, $5.000000000e+00;
	v18 =	vld.idx.msk [tilespmem:v22+s8+$0x0], $0xffff;
	v22 =	vtrunc.f32 v16;
	v23 =	vcvt.f32.s32 v23  }
0x200: {  	vm0 =	vle.f32 v15, $5.000000000e+00;
	v5 =	vld.idx.msk [tilespmem:v5+s8+$0x0], $0xffff;
	v22 =	vcvt.f32.s32 v22;
	v15 =	vtrunc.f32 v21  }
0x201: {  	v9 =	vadd.f32 v13, v9;
	v13 =	vld.idx.msk [tilespmem:v20+s9+$0x0], $0xffff;
	v20 =	vtrunc.f32 v17;
	v15 =	vcvt.f32.s32 v15  }
0x202: {  	v12 =	vnsel vm3, $0xFF800000, v12;
	v10 =	vand.u32 $0x7FFFFFFF, v10;
	v24 =	vld.idx.msk [tilespmem:v24+s8+$0x0], $0xffff;
	v20 =	vcvt.f32.s32 v20  }
0x203: {  	v11 =	vnsel vm2, $0xFF800000, v11;
	v7 =	vadd.f32 v12, v7;
	vm2 =	vle.f32 v10, $5.000000000e+00;
	v10 =	vld.idx.msk [tilespmem:v26+s9+$0x0], $0xffff  }
0x204: {  	v8 =	vadd.f32 v11, v8;
	v12 =	vld.idx.msk [tilespmem:v27+s9+$0x0], $0xffff;
	v14 =	vsub.f32 v16, v14  }
0x205: {  	v11 =	vnsel vm2, $0xFF800000, v25;
	v16 =	vsub.f32 v19, v18;
	v5 =	vsub.f32 v17, v5;
	v18 =	vld.idx.msk [tilespmem:v23+s9+$0x0], $0xffff  }
0x206: {  	vm0 =	vmmov vm0;
	v6 =	vadd.f32 v11, v6;
	v11 =	vand.u32 $0x7FFFFFFF, v14;
	v14 =	vld.idx.msk [tilespmem:v22+s9+$0x0], $0xffff  }
0x207: {  	vm2 =	vmmov vm4;
	v13 =	vnsel vm1, $0xFF800000, v13;
	v5 =	vand.u32 $0x7FFFFFFF, v5;
	v15 =	vld.idx.msk [tilespmem:v15+s9+$0x0], $0xffff  }
0x208: {  	v17 =	vsub.f32 v21, v24;
	v10 =	vnsel vm0, $0xFF800000, v10;
	vm4 =	vle.f32 v5, $5.000000000e+00;
	v5 =	vld.idx.msk [tilespmem:v20+s9+$0x0], $0xffff  }
0x209: {  	v9 =	vadd.f32 v13, v9;
	v16 =	vand.u32 $0x7FFFFFFF, v16;
	vm1 =	vle.f32 v11, $5.000000000e+00  }
0x20a: {  	v12 =	vnsel vm2, $0xFF800000, v12;
	v7 =	vadd.f32 v10, v7;
	v11 =	vand.u32 $0x7FFFFFFF, v17  }
0x20b: {  	vm3 =	vle.f32 v16, $5.000000000e+00;
	v8 =	vadd.f32 v12, v8;
	vm0 =	vle.f32 v11, $5.000000000e+00  }
0x20c: {  	vm2 =	vmmov vm4;
	v10 =	vnsel vm0, $0xFF800000, v15;
	vm0 =	vmmov vm3  }
0x20d: {  	s23 =	simm.s32 $0x2;
	v11 =	vnsel vm1, $0xFF800000, v14;
	v5 =	vnsel vm2, $0xFF800000, v5;
	v12 =	vnsel vm0, $0xFF800000, v18  }
0x20e: {  	v6 =	vadd.f32 v10, v6;
	v5 =	vadd.f32 v5, v8;
	v8 =	vmov s23  }
0x20f: {  	s24 =	simm.s32 $0x1;
	v9 =	vadd.f32 v11, v9;
	v7 =	vadd.f32 v12, v7;
	v8 =	vand.u32 $0x7E, v8  }
0x210: {  	v6 =	vadd.f32 v5, v6;
	v5 =	vmov s24;
	v8 =	vbroadcast v8, $0x0  }
0x211: {  	v10 =	vand.u32 $0x7D, v5;
	v5 =	vor.u32 $0x3800, v0  }
0x212: {  	s17 =	simm.s32 $0x0;
	v7 =	vadd.f32 v9, v7;
	v10 =	vbroadcast v10, $0x0;
	v8 =	vor.u32 v5, v8  }
0x213: {  	v9 =	vmov s17  }
0x214: {  	s25 =	simm.s32 $0x3;
	v9 =	vand.u32 $0x7C, v9;
	v6 =	vadd.f32 v6, v7;
	v7 =	vor.u32 v5, v10  }
0x215: {  	v9 =	vbroadcast v9, $0x0;
	v10 =	vor.u32 s25, v5  }
0x216: {  	[tilespmem:$0x80E0] =	vst v6  }
0x217: {  	v9 =	vor.u32 v5, v9;
	v16 =	vld.idx.msk [tilespmem:v8+s2+$0x0], $0xffff  }
0x218: {  	s26 =	simm.s32 $0x4;
	v8 =	vld.idx.msk [tilespmem:v8+s8+$0x0], $0xffff  }
0x219: {  	s28 =	simm.s32 $0x6;
	v6 =	vmov s26;
	v11 =	vld.idx.msk [tilespmem:v7+s2+$0x0], $0xffff  }
0x21a: {  	s29 =	simm.s32 $0x5;
	v12 =	vand.u32 $0x7C, v6;
	v6 =	vmov s28;
	v17 =	vld.idx.msk [tilespmem:v10+s2+$0x0], $0xffff  }
0x21b: {  	v13 =	vmov s29;
	v6 =	vand.u32 $0x7E, v6;
	v7 =	vld.idx.msk [tilespmem:v7+s8+$0x0], $0xffff  }
0x21c: {  	s16 =	simm.s32 $0x8;
	v13 =	vand.u32 $0x7D, v13;
	v18 =	vbroadcast v6, $0x0;
	v14 =	vld.idx.msk [tilespmem:v9+s2+$0x0], $0xffff  }
0x21d: {  	v21 =	vmov s16;
	v13 =	vbroadcast v13, $0x0;
	v20 =	vld.idx.msk [tilespmem:v10+s8+$0x0], $0xffff  }
0x21e: {  	v21 =	vand.u32 $0x7C, v21;
	v9 =	vld.idx.msk [tilespmem:v9+s8+$0x0], $0xffff;
	v10 =	vor.u32 v5, v18;
	v15 =	vtrunc.f32 v16  }
0x21f: {  	s30 =	simm.s32 $0x7;
	v63 =	vor.u32 v5, v13;
	v12 =	vbroadcast v12, $0x0;
	v19 =	vcvt.f32.s32 v15  }
0x220: {  	v6 =	vimm.f32 $0.0e+00;
	v18 =	vor.u32 s30, v5;
	v8 =	vsub.f32 v16, v8  }
0x221: {  	v15 =	vor.u32 v5, v12;
	v23 =	vtrunc.f32 v11;
	v22 =	vtrunc.f32 v14  }
0x222: {  	v7 =	vsub.f32 v11, v7;
	v13 =	vcvt.f32.s32 v23;
	v23 =	vtrunc.f32 v17  }
0x223: {  	v9 =	vsub.f32 v14, v9;
	v17 =	vsub.f32 v17, v20;
	v14 =	vld.idx.msk [tilespmem:v10+s2+$0x0], $0xffff;
	v12 =	vcvt.f32.s32 v22  }
0x224: {  	s31 =	simm.s32 $0x9;
	v11 =	vcvt.f32.s32 v23;
	v7 =	vand.u32 $0x7FFFFFFF, v7;
	v22 =	vbroadcast v21, $0x0;
	v21 =	vld.idx.msk [tilespmem:v63+s8+$0x0], $0xffff  }
0x225: {  	v23 =	vmov s31;
	v9 =	vand.u32 $0x7FFFFFFF, v9;
	vm0 =	vle.f32 v7, $5.000000000e+00;
	v20 =	vld.idx.msk [tilespmem:v19+s9+$0x0], $0xffff  }
0x226: {  	v7 =	vand.u32 $0x7FFFFFFF, v17;
	v17 =	vld.idx.msk [tilespmem:v63+s2+$0x0], $0xffff;
	v23 =	vand.u32 $0x7D, v23;
	vm1 =	vle.f32 v9, $5.000000000e+00  }
0x227: {  	vm2 =	vle.f32 v7, $5.000000000e+00;
	v16 =	vld.idx.msk [tilespmem:v15+s2+$0x0], $0xffff;
	v7 =	vand.u32 $0x7FFFFFFF, v8;
	v9 =	vimm.f32 $0.0e+00  }
0x228: {  	s18 =	simm.s32 $0xA;
	s17 =	simm.s32 $0xC;
	v8 =	vimm.f32 $0.0e+00;
	v19 =	vld.idx.msk [tilespmem:v18+s2+$0x0], $0xffff;
	vm3 =	vle.f32 v7, $5.000000000e+00;
	v7 =	vimm.f32 $0.0e+00  }
.LBB2_16:
0x229: {  	v23 =	vbroadcast v23, $0x0;
	v24 =	vmov s18  }
0x22a: {  	p0 =	sne.s32 s17, $0x7C;
	v25 =	vld.idx.msk [tilespmem:v15+s8+$0x0], $0xffff;
	v15 =	vnsel vm3, $0xFF800000, v20;
	vm4 =	vmmov vm1;
	vm3 =	vmmov vm2  }
0x22b: {  	v27 =	vmovc v14;
	v20 =	vand.u32 $0x7E, v24;
	v24 =	vtrunc.f32 v14;
	v26 =	vld.idx.msk [tilespmem:v18+s8+$0x0], $0xffff;
	v6 =	vadd.f32 v15, v6  }
0x22c: {  	v14 =	vmov s17;
	v18 =	vbroadcast v20, $0x0;
	v20 =	vcvt.f32.s32 v24;
	v24 =	vld.idx.msk [tilespmem:v13+s9+$0x0], $0xffff  }
0x22d: {  	v28 =	vtrunc.f32 v16;
	v13 =	vtrunc.f32 v17;
	v29 =	vld.idx.msk [tilespmem:v12+s9+$0x0], $0xffff  }
0x22e: {  	s18 =	sadd.s32 $0x3, s16;
	s16 =	smov.u32 s17;
	v15 =	vor.u32 v5, v22;
	v30 =	vor.u32 v5, v23;
	v22 =	vld.idx.msk [tilespmem:v10+s8+$0x0], $0xffff;
	v10 =	vor.u32 v5, v18  }
0x22f: {  	v13 =	vcvt.f32.s32 v13;
	v23 =	vtrunc.f32 v19;
	v18 =	vor.u32 s18, v5;
	v31 =	vld.idx.msk [tilespmem:v11+s9+$0x0], $0xffff  }
0x230: {  	v12 =	vcvt.f32.s32 v28;
	v17 =	vsub.f32 v17, v21;
	v11 =	vcvt.f32.s32 v23  }
0x231: {  	v21 =	vand.u32 $0x7C, v14;
	s18 =	sadd.s32 $0x1, s17;
	v16 =	vsub.f32 v16, v25;
	v19 =	vsub.f32 v19, v26  }
0x232: {  	v23 =	vmov s18;
	v17 =	vand.u32 $0x7FFFFFFF, v17;
	v24 =	vnsel vm0, $0xFF800000, v24;
	v20 =	vld.idx.msk [tilespmem:v20+s9+$0x0], $0xffff  }
.Ltmp7:
0x233: {  	v16 =	vand.u32 $0x7FFFFFFF, v16;
	vm0 =	vle.f32 v17, $5.000000000e+00;
	v19 =	vand.u32 $0x7FFFFFFF, v19;
	v14 =	vld.idx.msk [tilespmem:v10+s2+$0x0], $0xffff;
	(pc) =	sbr.rel @p0 .LBB2_16-.Ltmp7, $4  }
0x234: {  	vm1 =	vle.f32 v16, $5.000000000e+00;
	v22 =	vsub.f32 v27, v22;
	vm2 =	vle.f32 v19, $5.000000000e+00;
	v17 =	vld.idx.msk [tilespmem:v30+s2+$0x0], $0xffff  }
0x235: {  	v25 =	vnsel vm4, $0xFF800000, v29;
	v9 =	vadd.f32 v24, v9;
	v24 =	vnsel vm3, $0xFF800000, v31;
	v16 =	vld.idx.msk [tilespmem:v15+s2+$0x0], $0xffff  }
0x236: {  	v7 =	vadd.f32 v25, v7;
	v26 =	vand.u32 $0x7FFFFFFF, v22;
	v8 =	vadd.f32 v24, v8;
	v19 =	vld.idx.msk [tilespmem:v18+s2+$0x0], $0xffff  }
0x237: {  	s17 =	sadd.s32 $0x4, s17;
	s18 =	sadd.s32 $0x2, s16;
	v23 =	vand.u32 $0x7D, v23;
	v22 =	vbroadcast v21, $0x0;
	vm3 =	vle.f32 v26, $5.000000000e+00;
	v21 =	vld.idx.msk [tilespmem:v30+s8+$0x0], $0xffff  }
0x238: {  	_ =	sdelay $0x2  }
0x239: {  	v24 =	vmov s18  }
0x23a: {  	v23 =	vbroadcast v23, $0x0;
	v15 =	vld.idx.msk [tilespmem:v15+s8+$0x0], $0xffff;
	v24 =	vand.u32 $0x7E, v24  }
0x23b: {  	v18 =	vld.idx.msk [tilespmem:v18+s8+$0x0], $0xffff;
	v22 =	vor.u32 v5, v22;
	v24 =	vbroadcast v24, $0x0  }
0x23c: {  	v13 =	vld.idx.msk [tilespmem:v13+s9+$0x0], $0xffff;
	v23 =	vor.u32 v5, v23  }
0x23d: {  	v12 =	vld.idx.msk [tilespmem:v12+s9+$0x0], $0xffff;
	s16 =	sadd.s32 $0x3, s16;
	v24 =	vor.u32 v5, v24  }
0x23e: {  	v25 =	vtrunc.f32 v14;
	v10 =	vld.idx.msk [tilespmem:v10+s8+$0x0], $0xffff;
	v20 =	vnsel vm3, $0xFF800000, v20;
	v5 =	vor.u32 s16, v5  }
0x23f: {  	vm13 =	vmmov vm1;
	v11 =	vld.idx.msk [tilespmem:v11+s9+$0x0], $0xffff;
	v25 =	vcvt.f32.s32 v25;
	v39 =	vtrunc.f32 v17  }
0x240: {  	v6 =	vadd.f32 v20, v6;
	v26 =	vtrunc.f32 v16;
	v20 =	vcvt.f32.s32 v39;
	v43 =	vld.idx.msk [tilespmem:v22+s2+$0x0], $0xffff  }
0x241: {  	vm2 =	vmmov vm2;
	v27 =	vtrunc.f32 v19;
	v26 =	vcvt.f32.s32 v26;
	v42 =	vld.idx.msk [tilespmem:v23+s2+$0x0], $0xffff  }
0x242: {  	v40 =	vsub.f32 v17, v21;
	v27 =	vcvt.f32.s32 v27;
	v15 =	vsub.f32 v16, v15;
	v41 =	vld.idx.msk [tilespmem:v24+s2+$0x0], $0xffff  }
0x243: {  	v18 =	vsub.f32 v19, v18;
	v13 =	vnsel vm0, $0xFF800000, v13;
	v10 =	vsub.f32 v14, v10;
	v44 =	vld.idx.msk [tilespmem:v5+s2+$0x0], $0xffff  }
0x244: {  	v12 =	vnsel vm13, $0xFF800000, v12;
	v11 =	vnsel vm2, $0xFF800000, v11;
	v17 =	vand.u32 $0x7FFFFFFF, v40;
	v47 =	vld.idx.msk [tilespmem:v22+s8+$0x0], $0xffff  }
0x245: {  	v9 =	vadd.f32 v13, v9;
	v7 =	vadd.f32 v12, v7;
	v25 =	vld.idx.msk [tilespmem:v25+s9+$0x0], $0xffff;
	v49 =	vtrunc.f32 v43  }
0x246: {  	v8 =	vadd.f32 v11, v8;
	v45 =	vld.idx.msk [tilespmem:v23+s8+$0x0], $0xffff;
	v48 =	vtrunc.f32 v42;
	v23 =	vcvt.f32.s32 v49  }
0x247: {  	v15 =	vand.u32 $0x7FFFFFFF, v15;
	v5 =	vld.idx.msk [tilespmem:v5+s8+$0x0], $0xffff;
	v22 =	vcvt.f32.s32 v48;
	v46 =	vtrunc.f32 v41  }
0x248: {  	vm15 =	vle.f32 v15, $5.000000000e+00;
	v50 =	vld.idx.msk [tilespmem:v20+s9+$0x0], $0xffff;
	v51 =	vtrunc.f32 v44;
	v15 =	vcvt.f32.s32 v46  }
0x249: {  	v18 =	vand.u32 $0x7FFFFFFF, v18;
	v10 =	vand.u32 $0x7FFFFFFF, v10;
	v24 =	vld.idx.msk [tilespmem:v24+s8+$0x0], $0xffff;
	v20 =	vcvt.f32.s32 v51  }
0x24a: {  	vm14 =	vle.f32 v17, $5.000000000e+00;
	vm4 =	vle.f32 v18, $5.000000000e+00;
	vm8 =	vle.f32 v10, $5.000000000e+00;
	v52 =	vld.idx.msk [tilespmem:v26+s9+$0x0], $0xffff  }
0x24b: {  	vm0 =	vmmov vm15;
	vm9 =	vmmov vm4;
	v54 =	vld.idx.msk [tilespmem:v27+s9+$0x0], $0xffff;
	v55 =	vsub.f32 v43, v47  }
0x24c: {  	v53 =	vnsel vm8, $0xFF800000, v25;
	v14 =	vsub.f32 v42, v45;
	v5 =	vsub.f32 v44, v5;
	v59 =	vld.idx.msk [tilespmem:v23+s9+$0x0], $0xffff  }
0x24d: {  	v6 =	vadd.f32 v53, v6;
	v13 =	vnsel vm14, $0xFF800000, v50;
	v16 =	vand.u32 $0x7FFFFFFF, v55;
	v57 =	vld.idx.msk [tilespmem:v22+s9+$0x0], $0xffff  }
0x24e: {  	v56 =	vand.u32 $0x7FFFFFFF, v14;
	v58 =	vsub.f32 v41, v24;
	v5 =	vand.u32 $0x7FFFFFFF, v5;
	v15 =	vld.idx.msk [tilespmem:v15+s9+$0x0], $0xffff  }
0x24f: {  	vm11 =	vle.f32 v16, $5.000000000e+00;
	v10 =	vnsel vm0, $0xFF800000, v52;
	vm12 =	vle.f32 v5, $5.000000000e+00;
	v5 =	vld.idx.msk [tilespmem:v20+s9+$0x0], $0xffff  }
0x250: {  	v9 =	vadd.f32 v13, v9;
	vm10 =	vle.f32 v56, $5.000000000e+00;
	v12 =	vnsel vm9, $0xFF800000, v54  }
0x251: {  	v7 =	vadd.f32 v10, v7;
	vm14 =	vmmov vm11;
	v60 =	vand.u32 $0x7FFFFFFF, v58  }
0x252: {  	v8 =	vadd.f32 v12, v8;
	vm13 =	vle.f32 v60, $5.000000000e+00;
	v63 =	vnsel vm14, $0xFF800000, v59  }
0x253: {  	vm15 =	vmmov vm12;
	v62 =	vnsel vm10, $0xFF800000, v57;
	v7 =	vadd.f32 v63, v7  }
0x254: {  	v9 =	vadd.f32 v62, v9;
	v61 =	vnsel vm13, $0xFF800000, v15;
	v5 =	vnsel vm15, $0xFF800000, v5  }
0x255: {  	v6 =	vadd.f32 v61, v6;
	v5 =	vadd.f32 v5, v8;
	_ =	sdelay $0x1  }
0x256: {  	v7 =	vadd.f32 v9, v7;
	v5 =	vadd.f32 v5, v6;
	_ =	sdelay $0x1  }
0x257: {  	s15 =	sadd.s32 $0x1, s15;
	v5 =	vadd.f32 v5, v7  }
0x258: {  	p0 =	sne.s32 s15, s7  }
.Ltmp8:
0x259: {  	[tilespmem:$0x80F0] =	vst v5;
	(pc) =	sbr.rel @p0 .LBB2_1-.Ltmp8, $4  }
0x25a: {  	[hbm4b:s6+s2] =	stream.linear.scatter [tilespmem:s13], [sflag:$0x4], $0x80, $0x38;
	[tilespmem:$0x8100] =	vst v63  }
0x25b: {  	_ =	swait.ge [sflag:s14], $0x80  }
0x25c: {  	[sflag:s14] =	ssyncset.done $0x0  }
0x25d: {  	[sflag:s14] =	ssyncadd.s32 $0xFFFFFF80  }
0x25e: {  	_ =	sfence.sel $0x180000  }
0x25f: {  	[bflag:$0x0] =	sbarrier.arrive $0xFFFF  }
0x260: {  	p0 =	sne.s32 s1, $0x0;
	_ =	strace $0x90000047  }
0x261: {  	s0 =	sadd.s32 @!p0 $0x100000, s0;
	[bflag:$0x2] =	sbarrier.arrive $0xFFFF  }
0x262: {  	[sflag:s0] =	ssyncadd.tile.s32 @!p0 $0x1;
	_ =	shalt  }
.Lfunc_end2:
_tile_overlayer_lowered:
.L_overlay_start_2:
0x263: {  	(tag) =	ssettag $0x2  }
0x264: {  	s0 =	rddreg [dreg:$0x0];
	s2 =	stileid.u32  }
0x265: {  	s1 =	rddreg [dreg:$0x1];
	p0 =	sne.s32 s2, $0x0  }
0x266: {  	s3 =	rddreg [dreg:$0x2];
	[bflag:$0x3] =	sbarrier.arrive $0xFFFF;
	s2 =	simm.s32 @!p0 $0x1C04  }
0x267: {  	[timem:s3], [sflag:s2] =	dma.local @!p0 [hbm:s0], s1  }
0x268: {  	s0 =	simm.s32 @!p0 $0x4  }
0x269: {  	_ =	swait.ge @!p0 [sflag:s0], s1  }
0x26a: {  	s1 =	ssub.s32 @!p0 $0x0, s1;
	[sflag:s0] =	ssyncset.done @!p0 $0x0  }
0x26b: {  	[sflag:s0] =	ssyncadd.s32 @!p0 s1  }
0x26c: {  	[bflag:$0x3] =	sbarrier.arrive $0xFFFF  }
0x26d: {  	_ =	shalt  }

</sc_bundles>
